<compile_context>
chip_gen: v7x
topology: tpu7x:2x2x1
jax: 0.10.2.dev20260603
libtpu: 0.0.44.dev20260713+nightly
codegen_flags: <defaults>
</compile_context>

<pallas_src>
import functools

import jax
import jax.numpy as jnp
from jax import lax
from jax.experimental import pallas as pl
from jax.experimental.pallas import tpu as pltpu
from jax.experimental.pallas import tpu_sc as plsc

NC = 2
NS = 16
NW = NC * NS
L = 16


NBUF = 2


def _sync_body(n_chunks, rows_per_chunk, d_model,
               post_hbm, left_hbm, right_hbm, out_hbm,
               idx_l, idx_r, *bufs_and_sems):
    inbs = bufs_and_sems[0:NBUF]
    outbs = bufs_and_sems[NBUF:2 * NBUF]
    in_sems = bufs_and_sems[2 * NBUF:3 * NBUF]
    out_sems = bufs_and_sems[3 * NBUF:4 * NBUF]
    wid = lax.axis_index("s") * NC + lax.axis_index("c")
    base_row = wid * (n_chunks * rows_per_chunk)

    def start_in(c, b):
        pltpu.make_async_copy(
            post_hbm.at[pl.ds(base_row + c * rows_per_chunk, rows_per_chunk), :],
            inbs[b], in_sems[b]).start()

    def wait_in(b):
        pltpu.make_async_copy(
            post_hbm.at[pl.ds(0, rows_per_chunk), :],
            inbs[b], in_sems[b]).wait()

    def start_out(c, b):
        pltpu.make_async_copy(
            outbs[b],
            out_hbm.at[pl.ds(base_row + c * rows_per_chunk, rows_per_chunk), :],
            out_sems[b]).start()

    def wait_out(b):
        pltpu.make_async_copy(
            outbs[b],
            out_hbm.at[pl.ds(0, rows_per_chunk), :],
            out_sems[b]).wait()

    def compute(b):
        @plsc.parallel_loop(0, d_model // L, unroll=2)
        def _(v):
            off = v * L
            il = idx_l[pl.ds(off, L)]
            ir = idx_r[pl.ds(off, L)]
            for r in range(rows_per_chunk):
                row = jnp.full((L,), r, jnp.int32)
                lv = plsc.load_gather(inbs[b], [row, il])
                rv = plsc.load_gather(inbs[b], [row, ir])
                outbs[b][r, pl.ds(off, L)] = lv * rv

    for b in range(NBUF - 1):
        start_in(b, b)
    pltpu.sync_copy(left_hbm, idx_l)
    pltpu.sync_copy(right_hbm, idx_r)

    def outer(g, _):
        for b in range(NBUF):
            c = g + b

            @pl.when(c + NBUF - 1 < n_chunks)
            def _():
                start_in(c + NBUF - 1, (b + NBUF - 1) % NBUF)

            wait_in(b)

            @pl.when(c >= NBUF)
            def _():
                wait_out(b)

            compute(b)
            start_out(c, b)
        return 0

    n_full = (n_chunks // NBUF) * NBUF
    lax.fori_loop(0, n_chunks // NBUF, lambda g, x: outer(g * NBUF, x), 0)

    for c in range(n_full, n_chunks):
        b = c % NBUF
        wait_in(b)
        wait_out(b)
        compute(b)
        start_out(c, b)

    for b in range(NBUF):
        wait_out(b)


def kernel(post_act, r_decay, left, right, current_tick):
    del r_decay, current_tick
    b_total, d_model = post_act.shape
    n_sync = left.shape[0]
    assert n_sync == d_model
    rows_per_w = b_total // NW
    rows_per_chunk = 8
    n_chunks = rows_per_w // rows_per_chunk

    mesh = plsc.VectorSubcoreMesh(core_axis_name="c", subcore_axis_name="s")
    run = pl.kernel(
        functools.partial(_sync_body, n_chunks, rows_per_chunk, d_model),
        out_type=jax.ShapeDtypeStruct((b_total, d_model), jnp.float32),
        mesh=mesh,
        compiler_params=pltpu.CompilerParams(needs_layout_passes=False),
        scratch_types=(
            [pltpu.VMEM((n_sync,), jnp.int32)] * 2
            + [pltpu.VMEM((rows_per_chunk, d_model), jnp.float32)] * (2 * NBUF)
            + [pltpu.SemaphoreType.DMA] * (2 * NBUF)
        ),
    )
    return run(post_act, left, right)

# --- scband reference (transcript-rebuilt; emitter-appended) ---
"""Pipeline reference for scband-synchronization-90675349553940 (READ-ONLY COPY).

The authoritative reference and input builder live on the scoring server;
editing this copy changes nothing except your own understanding.
"""

import jax, jax.numpy as jnp
import numpy as np

B = 16384
D_MODEL = 2048
N_SYNC = 2048


def setup_inputs(seed: int = 0) -> dict:
    key = jax.random.key(seed)
    k1, k2, k3 = jax.random.split(key, 3)
    post_act = jax.random.normal(k1, (B, D_MODEL), dtype=jnp.float32)
    # learned parameter (initialized to zeros as in torch module)
    r_decay = jnp.zeros((N_SYNC,), dtype=jnp.float32)
    # index buffers: random choice over [0, d_model)
    left = jax.random.randint(k2, (N_SYNC,), 0, D_MODEL, dtype=jnp.int32)
    right = jax.random.randint(k3, (N_SYNC,), 0, D_MODEL, dtype=jnp.int32)
    return {"post_act": post_act, "r_decay": r_decay, "left": left, "right": right, "current_tick": 0}


def reference(post_act, r_decay, left, right, current_tick=0):
    # current_tick == 0 path: decay state is (re)initialized
    # clamp r_decay to [0, 15] (mirrors torch .data clamp)
    r_decay_c = jnp.clip(r_decay, 0.0, 15.0)
    # paired gathers along feature dim (SparseCore-friendly)
    l = jnp.take(post_act, left, axis=1)
    rr = jnp.take(post_act, right, axis=1)
    pairwise_product = l * rr
    # r is computed and stored at tick 0 but does not affect tick-0 output
    r = jnp.exp(-r_decay_c)[None, :] * jnp.ones((post_act.shape[0], 1), dtype=post_act.dtype)
    decay_alpha = pairwise_product
    decay_beta = jnp.ones_like(pairwise_product)
    out = decay_alpha / jnp.sqrt(decay_beta)
    return out

if __name__ == "__main__":
    import jax
    _d = setup_inputs()
    print(jax.jit(kernel)(*tuple(_d.values())))

</pallas_src>

<mosaic_0001>
#map = affine_map<(d0, d1) -> (0, 0)>
#map1 = affine_map<(d0, d1) -> (0)>
module attributes {stable_mosaic.version = 14 : i64} {
  func.func @_sync_body(%arg0: i32, %arg1: i32, %arg2: memref<16384x2048xf32, #tpu.memory_space<hbm>>, %arg3: memref<2048xi32, #tpu.memory_space<hbm>>, %arg4: memref<2048xi32, #tpu.memory_space<hbm>>, %arg5: memref<16384x2048xf32, #tpu.memory_space<hbm>>, %arg6: memref<2048xi32, #tpu.memory_space<vmem>>, %arg7: memref<2048xi32, #tpu.memory_space<vmem>>, %arg8: memref<8x2048xf32, #tpu.memory_space<vmem>>, %arg9: memref<8x2048xf32, #tpu.memory_space<vmem>>, %arg10: memref<8x2048xf32, #tpu.memory_space<vmem>>, %arg11: memref<8x2048xf32, #tpu.memory_space<vmem>>, %arg12: memref<!tpu.dma_semaphore, #tpu.memory_space<semaphore_mem>>, %arg13: memref<!tpu.dma_semaphore, #tpu.memory_space<semaphore_mem>>, %arg14: memref<!tpu.dma_semaphore, #tpu.memory_space<semaphore_mem>>, %arg15: memref<!tpu.dma_semaphore, #tpu.memory_space<semaphore_mem>>) attributes {dimension_semantics = [#tpu.dimension_semantics<core_parallel>, #tpu.dimension_semantics<subcore_parallel>], iteration_bounds = array<i64: 2, 16>, scalar_prefetch = 0 : i64, scratch_operands = 10 : i64, tpu.core_type = #tpu.core_type<sc_vector_subcore>, window_params = [{transform_indices = #map}, {transform_indices = #map1}, {transform_indices = #map1}, {transform_indices = #map}]} {
    %mul3A = arith.constant 2 : i32
    %mul3A_0 = arith.muli %arg1, %mul3A : i32
    %add3A = arith.addi %mul3A_0, %arg0 : i32
    %mul3A_1 = arith.constant 512 : i32
    %mul3A_2 = arith.muli %add3A, %mul3A_1 : i32
    %add3A_3 = arith.constant 0 : i32
    %add3A_4 = arith.addi %mul3A_2, %add3A_3 : i32
    %dma_start3A = arith.constant 0 : i32
    %dma_start3A_5 = tpu.memref_slice %arg2[%add3A_4, %dma_start3A] : memref<16384x2048xf32, #tpu.memory_space<hbm>> -> memref<8x2048xf32, #tpu.memory_space<hbm>>
    %dma_start3A_6 = arith.constant 0 : i32
    %dma_start3A_7 = tpu.memref_slice %arg2[%add3A_4, %dma_start3A_6] : memref<16384x2048xf32, #tpu.memory_space<hbm>> -> memref<8x2048xf32, #tpu.memory_space<hbm>>
    tpu.enqueue_dma source(%dma_start3A_7 : memref<8x2048xf32, #tpu.memory_space<hbm>>) target(%arg8 : memref<8x2048xf32, #tpu.memory_space<vmem>>) target_semaphore(%arg12 : memref<!tpu.dma_semaphore, #tpu.memory_space<semaphore_mem>>)
    "tpu.region"() ({
      %run_scoped3A = tpu.sem_alloc : memref<!tpu.dma_semaphore, #tpu.memory_space<semaphore_mem>>
      tpu.enqueue_dma source(%arg3 : memref<2048xi32, #tpu.memory_space<hbm>>) target(%arg6 : memref<2048xi32, #tpu.memory_space<vmem>>) target_semaphore(%run_scoped3A : memref<!tpu.dma_semaphore, #tpu.memory_space<semaphore_mem>>)
      tpu.wait_dma2 semaphore(%run_scoped3A : memref<!tpu.dma_semaphore, #tpu.memory_space<semaphore_mem>>) src(%arg3 : memref<2048xi32, #tpu.memory_space<hbm>>) dst(%arg6 : memref<2048xi32, #tpu.memory_space<vmem>>)
      tpu.yield
    }) : () -> ()
    "tpu.region"() ({
      %run_scoped3A = tpu.sem_alloc : memref<!tpu.dma_semaphore, #tpu.memory_space<semaphore_mem>>
      tpu.enqueue_dma source(%arg4 : memref<2048xi32, #tpu.memory_space<hbm>>) target(%arg7 : memref<2048xi32, #tpu.memory_space<vmem>>) target_semaphore(%run_scoped3A : memref<!tpu.dma_semaphore, #tpu.memory_space<semaphore_mem>>)
      tpu.wait_dma2 semaphore(%run_scoped3A : memref<!tpu.dma_semaphore, #tpu.memory_space<semaphore_mem>>) src(%arg4 : memref<2048xi32, #tpu.memory_space<hbm>>) dst(%arg7 : memref<2048xi32, #tpu.memory_space<vmem>>)
      tpu.yield
    }) : () -> ()
    %scan3A = arith.constant 0 : i32
    %scan3A_8 = arith.constant 0 : i32
    %scan3A_9 = arith.constant 32 : i32
    %scan3A_10 = arith.addi %scan3A_8, %scan3A_9 : i32
    %scan3A_11 = arith.constant 1 : i32
    %scan3A_12 = scf.for %scan3A_25 = %scan3A_8 to %scan3A_10 step %scan3A_11 iter_args(%scan3A_26 = %scan3A) -> (i32)  : i32 {
      %mul3A_27 = arith.constant 2 : i32
      %mul3A_28 = arith.muli %scan3A_25, %mul3A_27 : i32
      %add3A_29 = arith.constant 0 : i32
      %add3A_30 = arith.addi %mul3A_28, %add3A_29 : i32
      %add3A_31 = arith.constant 2 : i32
      %add3A_32 = arith.addi %add3A_30, %add3A_31 : i32
      %sub3A = arith.constant 1 : i32
      %sub3A_33 = arith.subi %add3A_32, %sub3A : i32
      %lt3A = arith.constant 64 : i32
      %lt3A_34 = arith.cmpi slt, %sub3A_33, %lt3A : i32
      %convert_element_type3A = arith.extui %lt3A_34 : i1 to i32
      %cond3A = arith.constant 0 : i32
      %cond3A_35 = arith.cmpi ne, %convert_element_type3A, %cond3A : i32
      scf.if %cond3A_35 {
        %add3A_88 = arith.constant 2 : i32
        %add3A_89 = arith.addi %add3A_30, %add3A_88 : i32
        %sub3A_90 = arith.constant 1 : i32
        %sub3A_91 = arith.subi %add3A_89, %sub3A_90 : i32
        %mul3A_92 = arith.constant 8 : i32
        %mul3A_93 = arith.muli %sub3A_91, %mul3A_92 : i32
        %add3A_94 = arith.addi %mul3A_2, %mul3A_93 : i32
        %dma_start3A_95 = arith.constant 0 : i32
        %dma_start3A_96 = tpu.memref_slice %arg2[%add3A_94, %dma_start3A_95] : memref<16384x2048xf32, #tpu.memory_space<hbm>> -> memref<8x2048xf32, #tpu.memory_space<hbm>>
        %dma_start3A_97 = arith.constant 0 : i32
        %dma_start3A_98 = tpu.memref_slice %arg2[%add3A_94, %dma_start3A_97] : memref<16384x2048xf32, #tpu.memory_space<hbm>> -> memref<8x2048xf32, #tpu.memory_space<hbm>>
        tpu.enqueue_dma source(%dma_start3A_98 : memref<8x2048xf32, #tpu.memory_space<hbm>>) target(%arg9 : memref<8x2048xf32, #tpu.memory_space<vmem>>) target_semaphore(%arg13 : memref<!tpu.dma_semaphore, #tpu.memory_space<semaphore_mem>>)
      } else {
      }
      %dma_wait3A_36 = arith.constant 0 : i32
      %dma_wait3A_37 = arith.constant 0 : i32
      %dma_wait3A_38 = tpu.memref_slice %arg2[%dma_wait3A_36, %dma_wait3A_37] : memref<16384x2048xf32, #tpu.memory_space<hbm>> -> memref<8x2048xf32, #tpu.memory_space<hbm>>
      %dma_wait3A_39 = arith.constant 0 : i32
      %dma_wait3A_40 = arith.constant 0 : i32
      %dma_wait3A_41 = tpu.memref_slice %arg2[%dma_wait3A_39, %dma_wait3A_40] : memref<16384x2048xf32, #tpu.memory_space<hbm>> -> memref<8x2048xf32, #tpu.memory_space<hbm>>
      tpu.wait_dma2 semaphore(%arg12 : memref<!tpu.dma_semaphore, #tpu.memory_space<semaphore_mem>>) src(%dma_wait3A_41 : memref<8x2048xf32, #tpu.memory_space<hbm>>) dst(%arg8 : memref<8x2048xf32, #tpu.memory_space<vmem>>)
      %ge3A = arith.constant 2 : i32
      %ge3A_42 = arith.cmpi sge, %add3A_30, %ge3A : i32
      %convert_element_type3A_43 = arith.extui %ge3A_42 : i1 to i32
      %cond3A_44 = arith.constant 0 : i32
      %cond3A_45 = arith.cmpi ne, %convert_element_type3A_43, %cond3A_44 : i32
      scf.if %cond3A_45 {
        %dma_wait3A_88 = arith.constant 0 : i32
        %dma_wait3A_89 = arith.constant 0 : i32
        %dma_wait3A_90 = tpu.memref_slice %arg5[%dma_wait3A_88, %dma_wait3A_89] : memref<16384x2048xf32, #tpu.memory_space<hbm>> -> memref<8x2048xf32, #tpu.memory_space<hbm>>
        %dma_wait3A_91 = arith.constant 0 : i32
        %dma_wait3A_92 = arith.constant 0 : i32
        %dma_wait3A_93 = tpu.memref_slice %arg5[%dma_wait3A_91, %dma_wait3A_92] : memref<16384x2048xf32, #tpu.memory_space<hbm>> -> memref<8x2048xf32, #tpu.memory_space<hbm>>
        tpu.wait_dma2 semaphore(%arg14 : memref<!tpu.dma_semaphore, #tpu.memory_space<semaphore_mem>>) src(%arg10 : memref<8x2048xf32, #tpu.memory_space<vmem>>) dst(%dma_wait3A_93 : memref<8x2048xf32, #tpu.memory_space<hbm>>)
      } else {
      }
      %parallel_loop3A = arith.constant 0 : i32
      %parallel_loop3A_46 = arith.constant 128 : i32
      %parallel_loop3A_47 = arith.constant 1 : i32
      scf.for %parallel_loop3A_88 = %parallel_loop3A to %parallel_loop3A_46 step %parallel_loop3A_47  : i32 {
        %parallel_loop3A_89 = arith.constant 16 : i32
        %parallel_loop3A_90 = arith.muli %parallel_loop3A_88, %parallel_loop3A_89 : i32
        %parallel_loop3A_91 = arith.index_cast %parallel_loop3A_90 : i32 to index
        %parallel_loop3A_92 = tpu.vector_load %arg6[%parallel_loop3A_91] {strides = array<i32>} : memref<2048xi32, #tpu.memory_space<vmem>>, vector<16xi32>,
        %parallel_loop3A_93 = arith.index_cast %parallel_loop3A_90 : i32 to index
        %parallel_loop3A_94 = tpu.vector_load %arg7[%parallel_loop3A_93] {strides = array<i32>} : memref<2048xi32, #tpu.memory_space<vmem>>, vector<16xi32>,
        %parallel_loop3A_95 = arith.constant 0 : i32
        %parallel_loop3A_96 = vector.broadcast %parallel_loop3A_95 : i32 to vector<16xi32>
        %parallel_loop3A_97 = tpu.vector_load_idx %arg8[%parallel_loop3A_96, %parallel_loop3A_92] : memref<8x2048xf32, #tpu.memory_space<vmem>>[vector<16xi32>, vector<16xi32>], vector<16xf32>,
        %parallel_loop3A_98 = tpu.vector_load_idx %arg8[%parallel_loop3A_96, %parallel_loop3A_94] : memref<8x2048xf32, #tpu.memory_space<vmem>>[vector<16xi32>, vector<16xi32>], vector<16xf32>,
        %parallel_loop3A_99 = arith.mulf %parallel_loop3A_97, %parallel_loop3A_98 : vector<16xf32>
        %parallel_loop3A_100 = arith.constant 0 : i32
        %parallel_loop3A_101 = arith.index_cast %parallel_loop3A_100 : i32 to index
        %parallel_loop3A_102 = arith.index_cast %parallel_loop3A_90 : i32 to index
        %parallel_loop3A_103 = tpu.vector_load %arg10[%parallel_loop3A_101, %parallel_loop3A_102] {strides = array<i32>} : memref<8x2048xf32, #tpu.memory_space<vmem>>, vector<16xf32>,
        tpu.vector_store %arg10[%parallel_loop3A_101, %parallel_loop3A_102], %parallel_loop3A_99 {strides = array<i32>} : memref<8x2048xf32, #tpu.memory_space<vmem>>, vector<16xf32>,
        %parallel_loop3A_104 = arith.constant 1 : i32
        %parallel_loop3A_105 = vector.broadcast %parallel_loop3A_104 : i32 to vector<16xi32>
        %parallel_loop3A_106 = tpu.vector_load_idx %arg8[%parallel_loop3A_105, %parallel_loop3A_92] : memref<8x2048xf32, #tpu.memory_space<vmem>>[vector<16xi32>, vector<16xi32>], vector<16xf32>,
        %parallel_loop3A_107 = tpu.vector_load_idx %arg8[%parallel_loop3A_105, %parallel_loop3A_94] : memref<8x2048xf32, #tpu.memory_space<vmem>>[vector<16xi32>, vector<16xi32>], vector<16xf32>,
        %parallel_loop3A_108 = arith.mulf %parallel_loop3A_106, %parallel_loop3A_107 : vector<16xf32>
        %parallel_loop3A_109 = arith.constant 1 : i32
        %parallel_loop3A_110 = arith.index_cast %parallel_loop3A_109 : i32 to index
        %parallel_loop3A_111 = arith.index_cast %parallel_loop3A_90 : i32 to index
        %parallel_loop3A_112 = tpu.vector_load %arg10[%parallel_loop3A_110, %parallel_loop3A_111] {strides = array<i32>} : memref<8x2048xf32, #tpu.memory_space<vmem>>, vector<16xf32>,
        tpu.vector_store %arg10[%parallel_loop3A_110, %parallel_loop3A_111], %parallel_loop3A_108 {strides = array<i32>} : memref<8x2048xf32, #tpu.memory_space<vmem>>, vector<16xf32>,
        %parallel_loop3A_113 = arith.constant 2 : i32
        %parallel_loop3A_114 = vector.broadcast %parallel_loop3A_113 : i32 to vector<16xi32>
        %parallel_loop3A_115 = tpu.vector_load_idx %arg8[%parallel_loop3A_114, %parallel_loop3A_92] : memref<8x2048xf32, #tpu.memory_space<vmem>>[vector<16xi32>, vector<16xi32>], vector<16xf32>,
        %parallel_loop3A_116 = tpu.vector_load_idx %arg8[%parallel_loop3A_114, %parallel_loop3A_94] : memref<8x2048xf32, #tpu.memory_space<vmem>>[vector<16xi32>, vector<16xi32>], vector<16xf32>,
        %parallel_loop3A_117 = arith.mulf %parallel_loop3A_115, %parallel_loop3A_116 : vector<16xf32>
        %parallel_loop3A_118 = arith.constant 2 : i32
        %parallel_loop3A_119 = arith.index_cast %parallel_loop3A_118 : i32 to index
        %parallel_loop3A_120 = arith.index_cast %parallel_loop3A_90 : i32 to index
        %parallel_loop3A_121 = tpu.vector_load %arg10[%parallel_loop3A_119, %parallel_loop3A_120] {strides = array<i32>} : memref<8x2048xf32, #tpu.memory_space<vmem>>, vector<16xf32>,
        tpu.vector_store %arg10[%parallel_loop3A_119, %parallel_loop3A_120], %parallel_loop3A_117 {strides = array<i32>} : memref<8x2048xf32, #tpu.memory_space<vmem>>, vector<16xf32>,
        %parallel_loop3A_122 = arith.constant 3 : i32
        %parallel_loop3A_123 = vector.broadcast %parallel_loop3A_122 : i32 to vector<16xi32>
        %parallel_loop3A_124 = tpu.vector_load_idx %arg8[%parallel_loop3A_123, %parallel_loop3A_92] : memref<8x2048xf32, #tpu.memory_space<vmem>>[vector<16xi32>, vector<16xi32>], vector<16xf32>,
        %parallel_loop3A_125 = tpu.vector_load_idx %arg8[%parallel_loop3A_123, %parallel_loop3A_94] : memref<8x2048xf32, #tpu.memory_space<vmem>>[vector<16xi32>, vector<16xi32>], vector<16xf32>,
        %parallel_loop3A_126 = arith.mulf %parallel_loop3A_124, %parallel_loop3A_125 : vector<16xf32>
        %parallel_loop3A_127 = arith.constant 3 : i32
        %parallel_loop3A_128 = arith.index_cast %parallel_loop3A_127 : i32 to index
        %parallel_loop3A_129 = arith.index_cast %parallel_loop3A_90 : i32 to index
        %parallel_loop3A_130 = tpu.vector_load %arg10[%parallel_loop3A_128, %parallel_loop3A_129] {strides = array<i32>} : memref<8x2048xf32, #tpu.memory_space<vmem>>, vector<16xf32>,
        tpu.vector_store %arg10[%parallel_loop3A_128, %parallel_loop3A_129], %parallel_loop3A_126 {strides = array<i32>} : memref<8x2048xf32, #tpu.memory_space<vmem>>, vector<16xf32>,
        %parallel_loop3A_131 = arith.constant 4 : i32
        %parallel_loop3A_132 = vector.broadcast %parallel_loop3A_131 : i32 to vector<16xi32>
        %parallel_loop3A_133 = tpu.vector_load_idx %arg8[%parallel_loop3A_132, %parallel_loop3A_92] : memref<8x2048xf32, #tpu.memory_space<vmem>>[vector<16xi32>, vector<16xi32>], vector<16xf32>,
        %parallel_loop3A_134 = tpu.vector_load_idx %arg8[%parallel_loop3A_132, %parallel_loop3A_94] : memref<8x2048xf32, #tpu.memory_space<vmem>>[vector<16xi32>, vector<16xi32>], vector<16xf32>,
        %parallel_loop3A_135 = arith.mulf %parallel_loop3A_133, %parallel_loop3A_134 : vector<16xf32>
        %parallel_loop3A_136 = arith.constant 4 : i32
        %parallel_loop3A_137 = arith.index_cast %parallel_loop3A_136 : i32 to index
        %parallel_loop3A_138 = arith.index_cast %parallel_loop3A_90 : i32 to index
        %parallel_loop3A_139 = tpu.vector_load %arg10[%parallel_loop3A_137, %parallel_loop3A_138] {strides = array<i32>} : memref<8x2048xf32, #tpu.memory_space<vmem>>, vector<16xf32>,
        tpu.vector_store %arg10[%parallel_loop3A_137, %parallel_loop3A_138], %parallel_loop3A_135 {strides = array<i32>} : memref<8x2048xf32, #tpu.memory_space<vmem>>, vector<16xf32>,
        %parallel_loop3A_140 = arith.constant 5 : i32
        %parallel_loop3A_141 = vector.broadcast %parallel_loop3A_140 : i32 to vector<16xi32>
        %parallel_loop3A_142 = tpu.vector_load_idx %arg8[%parallel_loop3A_141, %parallel_loop3A_92] : memref<8x2048xf32, #tpu.memory_space<vmem>>[vector<16xi32>, vector<16xi32>], vector<16xf32>,
        %parallel_loop3A_143 = tpu.vector_load_idx %arg8[%parallel_loop3A_141, %parallel_loop3A_94] : memref<8x2048xf32, #tpu.memory_space<vmem>>[vector<16xi32>, vector<16xi32>], vector<16xf32>,
        %parallel_loop3A_144 = arith.mulf %parallel_loop3A_142, %parallel_loop3A_143 : vector<16xf32>
        %parallel_loop3A_145 = arith.constant 5 : i32
        %parallel_loop3A_146 = arith.index_cast %parallel_loop3A_145 : i32 to index
        %parallel_loop3A_147 = arith.index_cast %parallel_loop3A_90 : i32 to index
        %parallel_loop3A_148 = tpu.vector_load %arg10[%parallel_loop3A_146, %parallel_loop3A_147] {strides = array<i32>} : memref<8x2048xf32, #tpu.memory_space<vmem>>, vector<16xf32>,
        tpu.vector_store %arg10[%parallel_loop3A_146, %parallel_loop3A_147], %parallel_loop3A_144 {strides = array<i32>} : memref<8x2048xf32, #tpu.memory_space<vmem>>, vector<16xf32>,
        %parallel_loop3A_149 = arith.constant 6 : i32
        %parallel_loop3A_150 = vector.broadcast %parallel_loop3A_149 : i32 to vector<16xi32>
        %parallel_loop3A_151 = tpu.vector_load_idx %arg8[%parallel_loop3A_150, %parallel_loop3A_92] : memref<8x2048xf32, #tpu.memory_space<vmem>>[vector<16xi32>, vector<16xi32>], vector<16xf32>,
        %parallel_loop3A_152 = tpu.vector_load_idx %arg8[%parallel_loop3A_150, %parallel_loop3A_94] : memref<8x2048xf32, #tpu.memory_space<vmem>>[vector<16xi32>, vector<16xi32>], vector<16xf32>,
        %parallel_loop3A_153 = arith.mulf %parallel_loop3A_151, %parallel_loop3A_152 : vector<16xf32>
        %parallel_loop3A_154 = arith.constant 6 : i32
        %parallel_loop3A_155 = arith.index_cast %parallel_loop3A_154 : i32 to index
        %parallel_loop3A_156 = arith.index_cast %parallel_loop3A_90 : i32 to index
        %parallel_loop3A_157 = tpu.vector_load %arg10[%parallel_loop3A_155, %parallel_loop3A_156] {strides = array<i32>} : memref<8x2048xf32, #tpu.memory_space<vmem>>, vector<16xf32>,
        tpu.vector_store %arg10[%parallel_loop3A_155, %parallel_loop3A_156], %parallel_loop3A_153 {strides = array<i32>} : memref<8x2048xf32, #tpu.memory_space<vmem>>, vector<16xf32>,
        %parallel_loop3A_158 = arith.constant 7 : i32
        %parallel_loop3A_159 = vector.broadcast %parallel_loop3A_158 : i32 to vector<16xi32>
        %parallel_loop3A_160 = tpu.vector_load_idx %arg8[%parallel_loop3A_159, %parallel_loop3A_92] : memref<8x2048xf32, #tpu.memory_space<vmem>>[vector<16xi32>, vector<16xi32>], vector<16xf32>,
        %parallel_loop3A_161 = tpu.vector_load_idx %arg8[%parallel_loop3A_159, %parallel_loop3A_94] : memref<8x2048xf32, #tpu.memory_space<vmem>>[vector<16xi32>, vector<16xi32>], vector<16xf32>,
        %parallel_loop3A_162 = arith.mulf %parallel_loop3A_160, %parallel_loop3A_161 : vector<16xf32>
        %parallel_loop3A_163 = arith.constant 7 : i32
        %parallel_loop3A_164 = arith.index_cast %parallel_loop3A_163 : i32 to index
        %parallel_loop3A_165 = arith.index_cast %parallel_loop3A_90 : i32 to index
        %parallel_loop3A_166 = tpu.vector_load %arg10[%parallel_loop3A_164, %parallel_loop3A_165] {strides = array<i32>} : memref<8x2048xf32, #tpu.memory_space<vmem>>, vector<16xf32>,
        tpu.vector_store %arg10[%parallel_loop3A_164, %parallel_loop3A_165], %parallel_loop3A_162 {strides = array<i32>} : memref<8x2048xf32, #tpu.memory_space<vmem>>, vector<16xf32>,
      } {sc.loop_unroll_factor = 2 : i64, sc.parallel_access}
      %mul3A_48 = arith.constant 8 : i32
      %mul3A_49 = arith.muli %add3A_30, %mul3A_48 : i32
      %add3A_50 = arith.addi %mul3A_2, %mul3A_49 : i32
      %dma_start3A_51 = arith.constant 0 : i32
      %dma_start3A_52 = tpu.memref_slice %arg5[%add3A_50, %dma_start3A_51] : memref<16384x2048xf32, #tpu.memory_space<hbm>> -> memref<8x2048xf32, #tpu.memory_space<hbm>>
      %dma_start3A_53 = arith.constant 0 : i32
      %dma_start3A_54 = tpu.memref_slice %arg5[%add3A_50, %dma_start3A_53] : memref<16384x2048xf32, #tpu.memory_space<hbm>> -> memref<8x2048xf32, #tpu.memory_space<hbm>>
      tpu.enqueue_dma source(%arg10 : memref<8x2048xf32, #tpu.memory_space<vmem>>) target(%dma_start3A_54 : memref<8x2048xf32, #tpu.memory_space<hbm>>) target_semaphore(%arg14 : memref<!tpu.dma_semaphore, #tpu.memory_space<semaphore_mem>>)
      %add3A_55 = arith.constant 1 : i32
      %add3A_56 = arith.addi %mul3A_28, %add3A_55 : i32
      %add3A_57 = arith.constant 2 : i32
      %add3A_58 = arith.addi %add3A_56, %add3A_57 : i32
      %sub3A_59 = arith.constant 1 : i32
      %sub3A_60 = arith.subi %add3A_58, %sub3A_59 : i32
      %lt3A_61 = arith.constant 64 : i32
      %lt3A_62 = arith.cmpi slt, %sub3A_60, %lt3A_61 : i32
      %convert_element_type3A_63 = arith.extui %lt3A_62 : i1 to i32
      %cond3A_64 = arith.constant 0 : i32
      %cond3A_65 = arith.cmpi ne, %convert_element_type3A_63, %cond3A_64 : i32
      scf.if %cond3A_65 {
        %add3A_88 = arith.constant 2 : i32
        %add3A_89 = arith.addi %add3A_56, %add3A_88 : i32
        %sub3A_90 = arith.constant 1 : i32
        %sub3A_91 = arith.subi %add3A_89, %sub3A_90 : i32
        %mul3A_92 = arith.constant 8 : i32
        %mul3A_93 = arith.muli %sub3A_91, %mul3A_92 : i32
        %add3A_94 = arith.addi %mul3A_2, %mul3A_93 : i32
        %dma_start3A_95 = arith.constant 0 : i32
        %dma_start3A_96 = tpu.memref_slice %arg2[%add3A_94, %dma_start3A_95] : memref<16384x2048xf32, #tpu.memory_space<hbm>> -> memref<8x2048xf32, #tpu.memory_space<hbm>>
        %dma_start3A_97 = arith.constant 0 : i32
        %dma_start3A_98 = tpu.memref_slice %arg2[%add3A_94, %dma_start3A_97] : memref<16384x2048xf32, #tpu.memory_space<hbm>> -> memref<8x2048xf32, #tpu.memory_space<hbm>>
        tpu.enqueue_dma source(%dma_start3A_98 : memref<8x2048xf32, #tpu.memory_space<hbm>>) target(%arg8 : memref<8x2048xf32, #tpu.memory_space<vmem>>) target_semaphore(%arg12 : memref<!tpu.dma_semaphore, #tpu.memory_space<semaphore_mem>>)
      } else {
      }
      %dma_wait3A_66 = arith.constant 0 : i32
      %dma_wait3A_67 = arith.constant 0 : i32
      %dma_wait3A_68 = tpu.memref_slice %arg2[%dma_wait3A_66, %dma_wait3A_67] : memref<16384x2048xf32, #tpu.memory_space<hbm>> -> memref<8x2048xf32, #tpu.memory_space<hbm>>
      %dma_wait3A_69 = arith.constant 0 : i32
      %dma_wait3A_70 = arith.constant 0 : i32
      %dma_wait3A_71 = tpu.memref_slice %arg2[%dma_wait3A_69, %dma_wait3A_70] : memref<16384x2048xf32, #tpu.memory_space<hbm>> -> memref<8x2048xf32, #tpu.memory_space<hbm>>
      tpu.wait_dma2 semaphore(%arg13 : memref<!tpu.dma_semaphore, #tpu.memory_space<semaphore_mem>>) src(%dma_wait3A_71 : memref<8x2048xf32, #tpu.memory_space<hbm>>) dst(%arg9 : memref<8x2048xf32, #tpu.memory_space<vmem>>)
      %ge3A_72 = arith.constant 2 : i32
      %ge3A_73 = arith.cmpi sge, %add3A_56, %ge3A_72 : i32
      %convert_element_type3A_74 = arith.extui %ge3A_73 : i1 to i32
      %cond3A_75 = arith.constant 0 : i32
      %cond3A_76 = arith.cmpi ne, %convert_element_type3A_74, %cond3A_75 : i32
      scf.if %cond3A_76 {
        %dma_wait3A_88 = arith.constant 0 : i32
        %dma_wait3A_89 = arith.constant 0 : i32
        %dma_wait3A_90 = tpu.memref_slice %arg5[%dma_wait3A_88, %dma_wait3A_89] : memref<16384x2048xf32, #tpu.memory_space<hbm>> -> memref<8x2048xf32, #tpu.memory_space<hbm>>
        %dma_wait3A_91 = arith.constant 0 : i32
        %dma_wait3A_92 = arith.constant 0 : i32
        %dma_wait3A_93 = tpu.memref_slice %arg5[%dma_wait3A_91, %dma_wait3A_92] : memref<16384x2048xf32, #tpu.memory_space<hbm>> -> memref<8x2048xf32, #tpu.memory_space<hbm>>
        tpu.wait_dma2 semaphore(%arg15 : memref<!tpu.dma_semaphore, #tpu.memory_space<semaphore_mem>>) src(%arg11 : memref<8x2048xf32, #tpu.memory_space<vmem>>) dst(%dma_wait3A_93 : memref<8x2048xf32, #tpu.memory_space<hbm>>)
      } else {
      }
      %parallel_loop3A_77 = arith.constant 0 : i32
      %parallel_loop3A_78 = arith.constant 128 : i32
      %parallel_loop3A_79 = arith.constant 1 : i32
      scf.for %parallel_loop3A_88 = %parallel_loop3A_77 to %parallel_loop3A_78 step %parallel_loop3A_79  : i32 {
        %parallel_loop3A_89 = arith.constant 16 : i32
        %parallel_loop3A_90 = arith.muli %parallel_loop3A_88, %parallel_loop3A_89 : i32
        %parallel_loop3A_91 = arith.index_cast %parallel_loop3A_90 : i32 to index
        %parallel_loop3A_92 = tpu.vector_load %arg6[%parallel_loop3A_91] {strides = array<i32>} : memref<2048xi32, #tpu.memory_space<vmem>>, vector<16xi32>,
        %parallel_loop3A_93 = arith.index_cast %parallel_loop3A_90 : i32 to index
        %parallel_loop3A_94 = tpu.vector_load %arg7[%parallel_loop3A_93] {strides = array<i32>} : memref<2048xi32, #tpu.memory_space<vmem>>, vector<16xi32>,
        %parallel_loop3A_95 = arith.constant 0 : i32
        %parallel_loop3A_96 = vector.broadcast %parallel_loop3A_95 : i32 to vector<16xi32>
        %parallel_loop3A_97 = tpu.vector_load_idx %arg9[%parallel_loop3A_96, %parallel_loop3A_92] : memref<8x2048xf32, #tpu.memory_space<vmem>>[vector<16xi32>, vector<16xi32>], vector<16xf32>,
        %parallel_loop3A_98 = tpu.vector_load_idx %arg9[%parallel_loop3A_96, %parallel_loop3A_94] : memref<8x2048xf32, #tpu.memory_space<vmem>>[vector<16xi32>, vector<16xi32>], vector<16xf32>,
        %parallel_loop3A_99 = arith.mulf %parallel_loop3A_97, %parallel_loop3A_98 : vector<16xf32>
        %parallel_loop3A_100 = arith.constant 0 : i32
        %parallel_loop3A_101 = arith.index_cast %parallel_loop3A_100 : i32 to index
        %parallel_loop3A_102 = arith.index_cast %parallel_loop3A_90 : i32 to index
        %parallel_loop3A_103 = tpu.vector_load %arg11[%parallel_loop3A_101, %parallel_loop3A_102] {strides = array<i32>} : memref<8x2048xf32, #tpu.memory_space<vmem>>, vector<16xf32>,
        tpu.vector_store %arg11[%parallel_loop3A_101, %parallel_loop3A_102], %parallel_loop3A_99 {strides = array<i32>} : memref<8x2048xf32, #tpu.memory_space<vmem>>, vector<16xf32>,
        %parallel_loop3A_104 = arith.constant 1 : i32
        %parallel_loop3A_105 = vector.broadcast %parallel_loop3A_104 : i32 to vector<16xi32>
        %parallel_loop3A_106 = tpu.vector_load_idx %arg9[%parallel_loop3A_105, %parallel_loop3A_92] : memref<8x2048xf32, #tpu.memory_space<vmem>>[vector<16xi32>, vector<16xi32>], vector<16xf32>,
        %parallel_loop3A_107 = tpu.vector_load_idx %arg9[%parallel_loop3A_105, %parallel_loop3A_94] : memref<8x2048xf32, #tpu.memory_space<vmem>>[vector<16xi32>, vector<16xi32>], vector<16xf32>,
        %parallel_loop3A_108 = arith.mulf %parallel_loop3A_106, %parallel_loop3A_107 : vector<16xf32>
        %parallel_loop3A_109 = arith.constant 1 : i32
        %parallel_loop3A_110 = arith.index_cast %parallel_loop3A_109 : i32 to index
        %parallel_loop3A_111 = arith.index_cast %parallel_loop3A_90 : i32 to index
        %parallel_loop3A_112 = tpu.vector_load %arg11[%parallel_loop3A_110, %parallel_loop3A_111] {strides = array<i32>} : memref<8x2048xf32, #tpu.memory_space<vmem>>, vector<16xf32>,
        tpu.vector_store %arg11[%parallel_loop3A_110, %parallel_loop3A_111], %parallel_loop3A_108 {strides = array<i32>} : memref<8x2048xf32, #tpu.memory_space<vmem>>, vector<16xf32>,
        %parallel_loop3A_113 = arith.constant 2 : i32
        %parallel_loop3A_114 = vector.broadcast %parallel_loop3A_113 : i32 to vector<16xi32>
        %parallel_loop3A_115 = tpu.vector_load_idx %arg9[%parallel_loop3A_114, %parallel_loop3A_92] : memref<8x2048xf32, #tpu.memory_space<vmem>>[vector<16xi32>, vector<16xi32>], vector<16xf32>,
        %parallel_loop3A_116 = tpu.vector_load_idx %arg9[%parallel_loop3A_114, %parallel_loop3A_94] : memref<8x2048xf32, #tpu.memory_space<vmem>>[vector<16xi32>, vector<16xi32>], vector<16xf32>,
        %parallel_loop3A_117 = arith.mulf %parallel_loop3A_115, %parallel_loop3A_116 : vector<16xf32>
        %parallel_loop3A_118 = arith.constant 2 : i32
        %parallel_loop3A_119 = arith.index_cast %parallel_loop3A_118 : i32 to index
        %parallel_loop3A_120 = arith.index_cast %parallel_loop3A_90 : i32 to index
        %parallel_loop3A_121 = tpu.vector_load %arg11[%parallel_loop3A_119, %parallel_loop3A_120] {strides = array<i32>} : memref<8x2048xf32, #tpu.memory_space<vmem>>, vector<16xf32>,
        tpu.vector_store %arg11[%parallel_loop3A_119, %parallel_loop3A_120], %parallel_loop3A_117 {strides = array<i32>} : memref<8x2048xf32, #tpu.memory_space<vmem>>, vector<16xf32>,
        %parallel_loop3A_122 = arith.constant 3 : i32
        %parallel_loop3A_123 = vector.broadcast %parallel_loop3A_122 : i32 to vector<16xi32>
        %parallel_loop3A_124 = tpu.vector_load_idx %arg9[%parallel_loop3A_123, %parallel_loop3A_92] : memref<8x2048xf32, #tpu.memory_space<vmem>>[vector<16xi32>, vector<16xi32>], vector<16xf32>,
        %parallel_loop3A_125 = tpu.vector_load_idx %arg9[%parallel_loop3A_123, %parallel_loop3A_94] : memref<8x2048xf32, #tpu.memory_space<vmem>>[vector<16xi32>, vector<16xi32>], vector<16xf32>,
        %parallel_loop3A_126 = arith.mulf %parallel_loop3A_124, %parallel_loop3A_125 : vector<16xf32>
        %parallel_loop3A_127 = arith.constant 3 : i32
        %parallel_loop3A_128 = arith.index_cast %parallel_loop3A_127 : i32 to index
        %parallel_loop3A_129 = arith.index_cast %parallel_loop3A_90 : i32 to index
        %parallel_loop3A_130 = tpu.vector_load %arg11[%parallel_loop3A_128, %parallel_loop3A_129] {strides = array<i32>} : memref<8x2048xf32, #tpu.memory_space<vmem>>, vector<16xf32>,
        tpu.vector_store %arg11[%parallel_loop3A_128, %parallel_loop3A_129], %parallel_loop3A_126 {strides = array<i32>} : memref<8x2048xf32, #tpu.memory_space<vmem>>, vector<16xf32>,
        %parallel_loop3A_131 = arith.constant 4 : i32
        %parallel_loop3A_132 = vector.broadcast %parallel_loop3A_131 : i32 to vector<16xi32>
        %parallel_loop3A_133 = tpu.vector_load_idx %arg9[%parallel_loop3A_132, %parallel_loop3A_92] : memref<8x2048xf32, #tpu.memory_space<vmem>>[vector<16xi32>, vector<16xi32>], vector<16xf32>,
        %parallel_loop3A_134 = tpu.vector_load_idx %arg9[%parallel_loop3A_132, %parallel_loop3A_94] : memref<8x2048xf32, #tpu.memory_space<vmem>>[vector<16xi32>, vector<16xi32>], vector<16xf32>,
        %parallel_loop3A_135 = arith.mulf %parallel_loop3A_133, %parallel_loop3A_134 : vector<16xf32>
        %parallel_loop3A_136 = arith.constant 4 : i32
        %parallel_loop3A_137 = arith.index_cast %parallel_loop3A_136 : i32 to index
        %parallel_loop3A_138 = arith.index_cast %parallel_loop3A_90 : i32 to index
        %parallel_loop3A_139 = tpu.vector_load %arg11[%parallel_loop3A_137, %parallel_loop3A_138] {strides = array<i32>} : memref<8x2048xf32, #tpu.memory_space<vmem>>, vector<16xf32>,
        tpu.vector_store %arg11[%parallel_loop3A_137, %parallel_loop3A_138], %parallel_loop3A_135 {strides = array<i32>} : memref<8x2048xf32, #tpu.memory_space<vmem>>, vector<16xf32>,
        %parallel_loop3A_140 = arith.constant 5 : i32
        %parallel_loop3A_141 = vector.broadcast %parallel_loop3A_140 : i32 to vector<16xi32>
        %parallel_loop3A_142 = tpu.vector_load_idx %arg9[%parallel_loop3A_141, %parallel_loop3A_92] : memref<8x2048xf32, #tpu.memory_space<vmem>>[vector<16xi32>, vector<16xi32>], vector<16xf32>,
        %parallel_loop3A_143 = tpu.vector_load_idx %arg9[%parallel_loop3A_141, %parallel_loop3A_94] : memref<8x2048xf32, #tpu.memory_space<vmem>>[vector<16xi32>, vector<16xi32>], vector<16xf32>,
        %parallel_loop3A_144 = arith.mulf %parallel_loop3A_142, %parallel_loop3A_143 : vector<16xf32>
        %parallel_loop3A_145 = arith.constant 5 : i32
        %parallel_loop3A_146 = arith.index_cast %parallel_loop3A_145 : i32 to index
        %parallel_loop3A_147 = arith.index_cast %parallel_loop3A_90 : i32 to index
        %parallel_loop3A_148 = tpu.vector_load %arg11[%parallel_loop3A_146, %parallel_loop3A_147] {strides = array<i32>} : memref<8x2048xf32, #tpu.memory_space<vmem>>, vector<16xf32>,
        tpu.vector_store %arg11[%parallel_loop3A_146, %parallel_loop3A_147], %parallel_loop3A_144 {strides = array<i32>} : memref<8x2048xf32, #tpu.memory_space<vmem>>, vector<16xf32>,
        %parallel_loop3A_149 = arith.constant 6 : i32
        %parallel_loop3A_150 = vector.broadcast %parallel_loop3A_149 : i32 to vector<16xi32>
        %parallel_loop3A_151 = tpu.vector_load_idx %arg9[%parallel_loop3A_150, %parallel_loop3A_92] : memref<8x2048xf32, #tpu.memory_space<vmem>>[vector<16xi32>, vector<16xi32>], vector<16xf32>,
        %parallel_loop3A_152 = tpu.vector_load_idx %arg9[%parallel_loop3A_150, %parallel_loop3A_94] : memref<8x2048xf32, #tpu.memory_space<vmem>>[vector<16xi32>, vector<16xi32>], vector<16xf32>,
        %parallel_loop3A_153 = arith.mulf %parallel_loop3A_151, %parallel_loop3A_152 : vector<16xf32>
        %parallel_loop3A_154 = arith.constant 6 : i32
        %parallel_loop3A_155 = arith.index_cast %parallel_loop3A_154 : i32 to index
        %parallel_loop3A_156 = arith.index_cast %parallel_loop3A_90 : i32 to index
        %parallel_loop3A_157 = tpu.vector_load %arg11[%parallel_loop3A_155, %parallel_loop3A_156] {strides = array<i32>} : memref<8x2048xf32, #tpu.memory_space<vmem>>, vector<16xf32>,
        tpu.vector_store %arg11[%parallel_loop3A_155, %parallel_loop3A_156], %parallel_loop3A_153 {strides = array<i32>} : memref<8x2048xf32, #tpu.memory_space<vmem>>, vector<16xf32>,
        %parallel_loop3A_158 = arith.constant 7 : i32
        %parallel_loop3A_159 = vector.broadcast %parallel_loop3A_158 : i32 to vector<16xi32>
        %parallel_loop3A_160 = tpu.vector_load_idx %arg9[%parallel_loop3A_159, %parallel_loop3A_92] : memref<8x2048xf32, #tpu.memory_space<vmem>>[vector<16xi32>, vector<16xi32>], vector<16xf32>,
        %parallel_loop3A_161 = tpu.vector_load_idx %arg9[%parallel_loop3A_159, %parallel_loop3A_94] : memref<8x2048xf32, #tpu.memory_space<vmem>>[vector<16xi32>, vector<16xi32>], vector<16xf32>,
        %parallel_loop3A_162 = arith.mulf %parallel_loop3A_160, %parallel_loop3A_161 : vector<16xf32>
        %parallel_loop3A_163 = arith.constant 7 : i32
        %parallel_loop3A_164 = arith.index_cast %parallel_loop3A_163 : i32 to index
        %parallel_loop3A_165 = arith.index_cast %parallel_loop3A_90 : i32 to index
        %parallel_loop3A_166 = tpu.vector_load %arg11[%parallel_loop3A_164, %parallel_loop3A_165] {strides = array<i32>} : memref<8x2048xf32, #tpu.memory_space<vmem>>, vector<16xf32>,
        tpu.vector_store %arg11[%parallel_loop3A_164, %parallel_loop3A_165], %parallel_loop3A_162 {strides = array<i32>} : memref<8x2048xf32, #tpu.memory_space<vmem>>, vector<16xf32>,
      } {sc.loop_unroll_factor = 2 : i64, sc.parallel_access}
      %mul3A_80 = arith.constant 8 : i32
      %mul3A_81 = arith.muli %add3A_56, %mul3A_80 : i32
      %add3A_82 = arith.addi %mul3A_2, %mul3A_81 : i32
      %dma_start3A_83 = arith.constant 0 : i32
      %dma_start3A_84 = tpu.memref_slice %arg5[%add3A_82, %dma_start3A_83] : memref<16384x2048xf32, #tpu.memory_space<hbm>> -> memref<8x2048xf32, #tpu.memory_space<hbm>>
      %dma_start3A_85 = arith.constant 0 : i32
      %dma_start3A_86 = tpu.memref_slice %arg5[%add3A_82, %dma_start3A_85] : memref<16384x2048xf32, #tpu.memory_space<hbm>> -> memref<8x2048xf32, #tpu.memory_space<hbm>>
      tpu.enqueue_dma source(%arg11 : memref<8x2048xf32, #tpu.memory_space<vmem>>) target(%dma_start3A_86 : memref<8x2048xf32, #tpu.memory_space<hbm>>) target_semaphore(%arg15 : memref<!tpu.dma_semaphore, #tpu.memory_space<semaphore_mem>>)
      %scan3A_87 = arith.constant 0 : i32
      scf.yield %scan3A_87 : i32
    }
    %scan3A_13 = arith.constant 32 : i32
    %dma_wait3A = arith.constant 0 : i32
    %dma_wait3A_14 = arith.constant 0 : i32
    %dma_wait3A_15 = tpu.memref_slice %arg5[%dma_wait3A, %dma_wait3A_14] : memref<16384x2048xf32, #tpu.memory_space<hbm>> -> memref<8x2048xf32, #tpu.memory_space<hbm>>
    %dma_wait3A_16 = arith.constant 0 : i32
    %dma_wait3A_17 = arith.constant 0 : i32
    %dma_wait3A_18 = tpu.memref_slice %arg5[%dma_wait3A_16, %dma_wait3A_17] : memref<16384x2048xf32, #tpu.memory_space<hbm>> -> memref<8x2048xf32, #tpu.memory_space<hbm>>
    tpu.wait_dma2 semaphore(%arg14 : memref<!tpu.dma_semaphore, #tpu.memory_space<semaphore_mem>>) src(%arg10 : memref<8x2048xf32, #tpu.memory_space<vmem>>) dst(%dma_wait3A_18 : memref<8x2048xf32, #tpu.memory_space<hbm>>)
    %dma_wait3A_19 = arith.constant 0 : i32
    %dma_wait3A_20 = arith.constant 0 : i32
    %dma_wait3A_21 = tpu.memref_slice %arg5[%dma_wait3A_19, %dma_wait3A_20] : memref<16384x2048xf32, #tpu.memory_space<hbm>> -> memref<8x2048xf32, #tpu.memory_space<hbm>>
    %dma_wait3A_22 = arith.constant 0 : i32
    %dma_wait3A_23 = arith.constant 0 : i32
    %dma_wait3A_24 = tpu.memref_slice %arg5[%dma_wait3A_22, %dma_wait3A_23] : memref<16384x2048xf32, #tpu.memory_space<hbm>> -> memref<8x2048xf32, #tpu.memory_space<hbm>>
    tpu.wait_dma2 semaphore(%arg15 : memref<!tpu.dma_semaphore, #tpu.memory_space<semaphore_mem>>) src(%arg11 : memref<8x2048xf32, #tpu.memory_space<vmem>>) dst(%dma_wait3A_24 : memref<8x2048xf32, #tpu.memory_space<hbm>>)
    return
  }
}

</mosaic_0001>

<sc_bundles>
// kernel: kernel.3.cloned.1.call-start
scs
__scs_entry_jumppad:
0x0: {  	(pc) =	sbr.rel $0x88, $3  }
0x1: {  	(tag) =	ssettag $0x0;
	lr =	simm.s32 $0x1  }
0x2: {  	[smem:$0x3F9E] =	sst lr;
	_ =	strace $0xD0000000  }
0x3: {  	_ = 	snop  }
0x4: {  	_ = 	snop  }
0x5: {  	_ = 	snop  }
0x6: {  	_ = 	snop  }
0x7: {  	_ = 	snop  }
__scs_overlays_trampoline_lowered:
0x8: {  	[smem:$0x3FAD] =	sst s0  }
0x9: {  	[smem:$0x3FAE] =	sst s1  }
0xa: {  	[smem:$0x3FAF] =	sst s2  }
0xb: {  	[smem:$0x3FB0] =	sst s3  }
0xc: {  	[smem:$0x3FB1] =	sst s4  }
0xd: {  	[smem:$0x3FB2] =	sst s5  }
0xe: {  	[smem:$0x3FB3] =	sst s6  }
0xf: {  	[smem:$0x3FB4] =	sst s7  }
0x10: {  	[smem:$0x3FB5] =	sst s8  }
0x11: {  	[smem:$0x3FB6] =	sst s9;
	s0 =	simm.s32 @!p0 $0x0  }
0x12: {  	s1 =	sld [smem:$0x3F9C];
	s0 =	simm.s32 @p0 $0x1  }
0x13: {  	[smem:$0x3FB7] =	sst s0;
	s0 =	simm.s32 @!p1 $0x0  }
0x14: {  	s2 =	sld [smem:$0x3F9B];
	s0 =	simm.s32 @p1 $0x1  }
0x15: {  	[smem:$0x3FB8] =	sst s0;
	s0 =	simm.s32 @!p2 $0x0  }
0x16: {  	s3 =	sld [smem:$0x3FDB];
	s0 =	simm.s32 @p2 $0x1  }
0x17: {  	s4 =	simm.s32 $0x1BF5;
	[smem:$0x3FBA] =	sst s0  }
0x18: {  	s0 =	sld [smem:$0x3F9D];
	_ =	swait.ge [sflag:s4], $0x0  }
0x19: {  	s7 =	sld [smem:$0x3F9E]  }
0x1a: {  	s8 =	sadd.s32 $0xFFFFE003, lr  }
0x1b: {  	s9 =	sadd.s32 $0xFFFFFEF7, lr;
	s5 =	simm.s32 $0xFFFFFFFF;
	p2 =	slt.u32 s8, $0xFFFFF086  }
0x1c: {  	p1 =	slt.u32 s9, $0xF7A;
	s5 =	simm.s32 @!p2 $0x0  }
0x1d: {  	s5 =	simm.s32 @p1 $0x1;
	p0 =	seq.s32 s7, s2  }
0x1e: {  	s7 =	smul.u32 @!p0 $0xF7A, s2;
	p2 =	seq.s32 @!p0 s5, $0x0  }
0x1f: {  	s9 =	smul.u32 $0xF7A, s1;
	s8 =	simm.s32 @!p0 $0x1BF5;
	p2 =	por !p2, p0  }
0x20: {  	[sflag:s8] =	ssyncset.s32 @!p0 $0xFFFFF086;
	s6 =	sadd.s32 @!p0 s3, s7;
	s7 =	simm.s32 @!p0 $0x108  }
0x21: {  	s3 =	sadd.s32 s3, s9;
	s6 =	sadd.s32 @!p0 $0x88, s6;
	s7 =	simm.s32 @p2 $0x1082  }
0x22: {  	[simem:s7], [sflag:s8] =	dma.local @!p0 [hbm:s6], $0xF7A  }
0x23: {  	s9 =	sor.u32 $0xD0000000, s2;
	s6 =	simm.s32 $0x108;
	_ =	swait.ge @!p0 [sflag:s8], $0x0  }
0x24: {  	s3 =	sadd.s32 $0x88, s3;
	s6 =	simm.s32 @!p1 $0x1082;
	[sflag:s4] =	ssyncset.s32 $0xFFFFF086  }
0x25: {  	[simem:s6], [sflag:s4] =	dma.local [hbm:s3], $0xF7A  }
0x26: {  	[smem:$0x3F9E] =	sst s1;
	(tag) =	ssettag s2;
	_ =	strace s9  }
0x27: {  	s1 =	sld [smem:$0x3FAE]  }
0x28: {  	s2 =	sld [smem:$0x3FAF]  }
0x29: {  	s4 =	sld [smem:$0x3FB1]  }
0x2a: {  	p0 =	seq.s32 s5, $0x0;
	s5 =	sld [smem:$0x3FB2]  }
0x2b: {  	s6 =	sld [smem:$0x3FB3]  }
0x2c: {  	s7 =	sld [smem:$0x3FB4]  }
0x2d: {  	s3 =	simm.s32 $0x108;
	s8 =	sld [smem:$0x3FB5]  }
0x2e: {  	s3 =	simm.s32 @!p0 $0x1082;
	s9 =	sld [smem:$0x3FB6]  }
0x2f: {  	lr =	sadd.s32 s0, s3;
	s0 =	sld [smem:$0x3FAD]  }
0x30: {  	s3 =	sld [smem:$0x3FB0]  }
0x31: {  	[smem:$0x3FB9] =	sst s10  }
0x32: {  	s10 =	sld [smem:$0x3FB7];
	_ =	sdelay $0x3  }
0x33: {  	p0 =	seq.s32 s10, $0x1;
	s10 =	sld [smem:$0x3FB9];
	_ =	sdelay $0x3  }
0x34: {  	[smem:$0x3FB9] =	sst s10  }
0x35: {  	s10 =	sld [smem:$0x3FB8];
	_ =	sdelay $0x3  }
0x36: {  	p1 =	seq.s32 s10, $0x1;
	s10 =	sld [smem:$0x3FB9];
	_ =	sdelay $0x3  }
0x37: {  	[smem:$0x3FB9] =	sst s10  }
0x38: {  	s10 =	sld [smem:$0x3FBA]  }
0x39: {  	_ = 	snop;
	(pc) =	sbr.ind lr, $3  }
0x3a: {  	_ = 	snop  }
0x3b: {  	_ = 	snop  }
0x3c: {  	p2 =	seq.s32 s10, $0x1;
	s10 =	sld [smem:$0x3FB9]  }
0x3d: {  	_ =	shalt  }
0x3e: {  	_ =	shalt  }
0x3f: {  	_ =	shalt  }
0x40: {  	_ =	shalt  }
0x41: {  	_ =	shalt  }
0x42: {  	_ =	shalt  }
0x43: {  	_ =	shalt  }
0x44: {  	_ =	shalt  }
0x45: {  	_ =	shalt  }
0x46: {  	_ =	shalt  }
0x47: {  	_ =	shalt  }
0x48: {  	_ =	shalt  }
0x49: {  	_ =	shalt  }
0x4a: {  	_ =	shalt  }
0x4b: {  	_ =	shalt  }
0x4c: {  	_ =	shalt  }
0x4d: {  	_ =	shalt  }
0x4e: {  	_ =	shalt  }
0x4f: {  	_ =	shalt  }
0x50: {  	_ =	shalt  }
0x51: {  	_ =	shalt  }
0x52: {  	_ =	shalt  }
0x53: {  	_ =	shalt  }
0x54: {  	_ =	shalt  }
0x55: {  	_ =	shalt  }
0x56: {  	_ =	shalt  }
0x57: {  	_ =	shalt  }
0x58: {  	_ =	shalt  }
0x59: {  	_ =	shalt  }
0x5a: {  	_ =	shalt  }
0x5b: {  	_ =	shalt  }
0x5c: {  	_ =	shalt  }
0x5d: {  	_ =	shalt  }
0x5e: {  	_ =	shalt  }
0x5f: {  	_ =	shalt  }
0x60: {  	_ =	shalt  }
0x61: {  	_ =	shalt  }
0x62: {  	_ =	shalt  }
0x63: {  	_ =	shalt  }
0x64: {  	_ =	shalt  }
0x65: {  	_ =	shalt  }
0x66: {  	_ =	shalt  }
0x67: {  	_ =	shalt  }
0x68: {  	_ =	shalt  }
0x69: {  	_ =	shalt  }
0x6a: {  	_ =	shalt  }
0x6b: {  	_ =	shalt  }
0x6c: {  	_ =	shalt  }
0x6d: {  	_ =	shalt  }
0x6e: {  	_ =	shalt  }
0x6f: {  	_ =	shalt  }
0x70: {  	_ =	shalt  }
0x71: {  	_ =	shalt  }
0x72: {  	_ =	shalt  }
0x73: {  	_ =	shalt  }
0x74: {  	_ =	shalt  }
0x75: {  	_ =	shalt  }
0x76: {  	_ =	shalt  }
0x77: {  	_ =	shalt  }
0x78: {  	_ =	shalt  }
0x79: {  	_ =	shalt  }
0x7a: {  	_ =	shalt  }
0x7b: {  	_ =	shalt  }
0x7c: {  	_ =	shalt  }
0x7d: {  	_ =	shalt  }
0x7e: {  	_ =	shalt  }
0x7f: {  	_ =	shalt  }
0x80: {  	_ =	shalt  }
0x81: {  	_ =	shalt  }
0x82: {  	_ =	shalt  }
0x83: {  	_ =	shalt  }
0x84: {  	_ =	shalt  }
0x85: {  	_ =	shalt  }
0x86: {  	_ =	shalt  }
0x87: {  	_ =	shalt  }
.Lfunc_end0:
.L_simem_size_0:
called_computation_lowered:
.L_overlay_start_0:
0x88: {  	s2 =	sld [smem:$0x3FD9]  }
0x89: {  	s3 =	sld [smem:$0x3FFE];
	_ =	sdelay $0x1  }
0x8a: {  	s1 =	srdreg.scid  }
0x8b: {  	s0 =	sand.u32 $0x1, s1  }
0x8c: {  	s18 =	sshll.u32 s0, $0xA;
	s2 =	sadd.s32 s3, s2  }
0x8d: {  	s2 =	sadd.s32 s2, s18  }
0x8e: {  	[smem:$0x3FC5] =	sst s2  }
0x8f: {  	_ = 	snop  }
0x90: {  	s2 =	sld [smem:$0x3FC9]  }
0x91: {  	s19 =	sld [smem:$0x3FC8]  }
0x92: {  	s4 =	sld [smem:$0x3FC7]  }
0x93: {  	s5 =	sld [smem:$0x3FD0];
	(tm) =	ssettm $0x1  }
0x94: {  	s6 =	sld [smem:$0x3FFB];
	_ =	sdelay $0x3  }
0x95: {  	_ =	strace s6  }
0x96: {  	s6 =	sld [smem:$0x3FFC];
	_ =	sdelay $0x3  }
0x97: {  	_ =	strace s6  }
0x98: {  	s6 =	sld [smem:$0x3FFD];
	_ =	sdelay $0x3  }
0x99: {  	_ =	strace s6  }
0x9a: {  	_ =	strace $0x8FFFFFFF  }
0x9b: {  	s20 =	sld [smem:$0x3FDB];
	_ =	sdelay $0x1  }
0x9c: {  	s7 =	simm.s32 $_scs_section_size  }
0x9d: {  	s8 =	simm.s32 $_size__tile_overlayer_lowered;
	s9 =	simm.s32 $_tile_overlayer_lowered  }
0x9e: {  	s23 =	simm.s32 $0x1BFF;
	s22 =	sshll.u32 s9, $0x1;
	s6 =	sadd.s32 s7, s20  }
0x9f: {  	s10 =	simm.s32 $0x0;
	s21 =	sshll.u32 s8, $0x1;
	s8 =	sadd.s32 s22, s6  }
0xa0: {  	[timem:s10], [sflag:s23] =	dma.local [hbm:s8], s21  }
0xa1: {  	_ =	swait.ge [sflag:s23], s21  }
0xa2: {  	s7 =	ssub.s32 $0x0, s21;
	[sflag:s23] =	ssyncset.done $0x0  }
0xa3: {  	[sflag:s23] =	ssyncadd.s32 s7;
	_ =	sdelay $0x1  }
0xa4: {  	s24 =	simm.s32 $0x1B8B  }
0xa5: {  	_ =	swait.ge [sflag:s24], $0x1  }
0xa6: {  	[sflag:s24] =	ssyncset.done $0x0  }
0xa7: {  	s25 =	simm.s32 $0x1B8E;
	[sflag:s24] =	ssyncadd.s32 $0xFFFFFFFF  }
0xa8: {  	s26 =	simm.s32 $execute0_lowered;
	[smem:$0x3FD2] =	sst s25  }
0xa9: {  	s7 =	sshll.u32 s26, $0x1;
	_ =	strace $0x80000046;
	[dreg:$0x1] =	wrdreg $0xFFFFFFFF  }
0xaa: {  	s28 =	simm.s32 $_size_execute0_lowered;
	s6 =	sadd.s32 s6, s7;
	[dreg:$0x0] =	wrdreg $0x0  }
0xab: {  	s7 =	sshll.u32 s28, $0x1;
	[dreg:$0x2] =	wrdreg s6  }
0xac: {  	[dreg:$0x3] =	wrdreg s7  }
0xad: {  	[dreg:$0x4] =	wrdreg $0xC0  }
0xae: {  	_ =	task [dreg:s10], $0x5FFFF  }
0xaf: {  	[dreg:$0x1] =	wrdreg $0xFFFFFFFF  }
0xb0: {  	[dreg:$0x0] =	wrdreg $0x60  }
0xb1: {  	[dreg:$0x2] =	wrdreg s2  }
0xb2: {  	[dreg:$0x3] =	wrdreg s19  }
0xb3: {  	[dreg:$0x4] =	wrdreg s4  }
0xb4: {  	[dreg:$0x5] =	wrdreg s5  }
0xb5: {  	[dreg:$0x6] =	wrdreg $0x9  }
0xb6: {  	_ =	task.clear_ibuf [dreg:s10], $0x7FFFF;
	_ =	strace $0x90000046  }
0xb7: {  	s29 =	simm.s32 $0x9;
	_ =	strace $0x80000048  }
0xb8: {  	_ =	swait.ge [sflag:s29], $0x1  }
0xb9: {  	[sflag:s29] =	ssyncadd.s32 $0xFFFFFFFF  }
0xba: {  	_ =	strace $0x90000048  }
0xbb: {  	_ =	sfence  }
0xbc: {  	s30 =	sld [smem:$0x0];
	_ =	sdelay $0x2  }
0xbd: {  	s31 =	sshll.u32 s1, $0xD;
	s1 =	sshrl.u32 s1, $0x2  }
0xbe: {  	s3 =	sand.u32 $0x4000, s31;
	s1 =	sadd.s32 s1, s30  }
0xbf: {  	s0 =	sor.u32 s3, s0;
	s1 =	sshll.u32 s1, $0x11  }
0xc0: {  	s0 =	sor.u32 s1, s0  }
0xc1: {  	s0 =	sadd.s32 $0x8F2B, s0  }
0xc2: {  	[sflag:s0] =	ssyncadd.remote.s32 $0x1  }
0xc3: {  	_ =	sfence.sel $0xFFFF  }
0xc4: {  	[dreg:$0x0] =	wrdreg $0xFFFFFFFF;
	(pc) =	sbr.abs _section_cstart, $3  }
0xc5: {  	[dreg:$0x1] =	wrdreg $0xFFFFFFFF  }
0xc6: {  	_ =	task.clear_ibuf [dreg:s10], $0x2FFFF;
	_ =	strace $0x9FFFFFFF  }
0xc7: {  	(tm) =	ssettm $0x7FFFFFFF  }
tec
execute0_lowered:
.L_overlay_start_1:
0x0: {  	(tag) =	ssettag $0x1  }
0x1: {  	s1 =	rddreg [dreg:$0x0]  }
0x2: {  	s4 =	rddreg [dreg:$0x3]  }
0x3: {  	s6 =	simm.s32 $0x0;
	s0 =	srdreg.scid;
	s3 =	stileid.u32  }
0x4: {  	s12 =	simm.s32 $0x1000;
	s15 =	simm.s32 $0x5000;
	s16 =	simm.s32 $0x1  }
0x5: {  	s17 =	simm.s32 $0x9000;
	s18 =	simm.s32 $0x2;
	s0 =	sand.u32 $0x1, s0  }
0x6: {  	s3 =	sshll.u32 s3, $0xA;
	s2 =	ssub.s32 $0x2, s0;
	s0 =	sshll.u32 s0, $0x9  }
0x7: {  	s19 =	simm.s32 $0x4;
	[smem:$0x7FF] =	sst s6;
	s0 =	sor.u32 s0, s3  }
0x8: {  	s20 =	simm.s32 $0xD000;
	_ =	strace $0x80000047;
	s3 =	sshll.u32 s0, $0x8  }
0x9: {  	s5 =	sshrl.u32 s2, $0x1;
	s7 =	sshrl.u32 s0, $0x3;
	s29 =	sadd.s32 s1, s3  }
0xa: {  	s2 =	ssub.s32 s2, s5;
	s30 =	sor.u32 $0x2, s7;
	[dreg:$0x5] =	wrdreg s29  }
0xb: {  	s10 =	smov.u32 s4;
	s31 =	smax.u32 s2, $0x1;
	[dreg:$0x6] =	wrdreg s30  }
0xc: {  	s9 =	sadd.s32 s4, s3;
	s2 =	simm.s32 $0x0;
	[dreg:$0x7] =	wrdreg s31  }
.LBB2_1:
0xd: {  	[dreg:$0x8] =	wrdreg s2  }
0xe: {  	s0 =	rddreg [dreg:$0x5]  }
0xf: {  	[tilespmem:s12], [sflag:$0x1] =	stream.linear.gather [hbm4b:s0+s6], $0x4000, $0x38;
	[tilespmem:$0x11000] =	vst v63  }
0x10: {  	s29 =	rddreg [dreg:$0x1];
	s30 =	simm.s32 $0x5  }
0x11: {  	[tilespmem:s6], [sflag:$0x5] =	stream.linear.gather [hbm4b:s29+s6], $0x800, $0x38;
	[tilespmem:$0x11000] =	vst v63  }
0x12: {  	_ =	swait.ge [sflag:s30], $0x800  }
0x13: {  	[sflag:s30] =	ssyncset.done $0x0  }
0x14: {  	[sflag:s30] =	ssyncadd.s32 $0xFFFFF800  }
0x15: {  	s3 =	simm.s32 $0x800;
	s31 =	rddreg [dreg:$0x2]  }
0x16: {  	[tilespmem:s3], [sflag:$0x5] =	stream.linear.gather [hbm4b:s31+s6], $0x800, $0x38;
	[tilespmem:$0x11000] =	vst v63  }
0x17: {  	_ =	swait.ge [sflag:s30], $0x800  }
0x18: {  	[sflag:s30] =	ssyncset.done $0x0  }
0x19: {  	s23 =	simm.s32 $0x0;
	[sflag:s30] =	ssyncadd.s32 $0xFFFFF800  }
.LBB2_2:
0x1a: {  	s25 =	sshll.u32 s23, $0x1  }
0x1b: {  	s0 =	sadd.s32 s25, s7  }
0x1c: {  	s0 =	sshll.u32 s0, $0xB  }
0x1d: {  	s24 =	sadd.s32 $0x800, s0  }
0x1e: {  	s0 =	sadd.s32 s1, s24  }
0x1f: {  	[tilespmem:s15], [sflag:$0x2] =	stream.linear.gather [hbm4b:s0+s6], $0x4000, $0x38;
	[tilespmem:$0x11000] =	vst v63  }
0x20: {  	_ =	swait.ge [sflag:s16], $0x4000  }
0x21: {  	p0 =	seq.s32 s23, $0x0;
	[sflag:s16] =	ssyncset.done $0x0  }
0x22: {  	s26 =	simm.s32 $0x0;
	s0 =	simm.s32 @!p0 $0x3;
	[sflag:s16] =	ssyncadd.s32 $0xFFFFC000  }
0x23: {  	s2 =	sand.u32 $0x60, s26;
	_ =	swait.ge @!p0 [sflag:s0], $0x4000  }
0x24: {  	s5 =	sand.u32 $0x780, s26;
	s3 =	sor.u32 $0x10, s2;
	[sflag:s0] =	ssyncset.done @!p0 $0x0  }
0x25: {  	s11 =	sor.u32 s5, s3;
	[sflag:s0] =	ssyncadd.s32 @!p0 $0xFFFFC000  }
0x26: {  	v0 =	vld [tilespmem:s11+$0x0]  }
0x27: {  	v1 =	vld [tilespmem:s11+$0x800];
	_ =	sdelay $0x3  }
0x28: {  	v2 =	vshll.u32 v0, $0x3  }
0x29: {  	v0 =	vand.u32 $0x7F, v0;
	v3 =	vshll.u32 v1, $0x3;
	v2 =	vand.u32 $0xFFFFFC00, v2  }
0x2a: {  	s13 =	simm.s32 $0x800;
	v4 =	vld [tilespmem:s26+$0x0];
	v1 =	vand.u32 $0x7F, v1;
	v7 =	vor.u32 v0, v2;
	v0 =	vand.u32 $0xFFFFFC00, v3  }
0x2b: {  	v2 =	vld [tilespmem:s13+$0x0];
	v6 =	vor.u32 v1, v0;
	_ =	sdelay $0x3  }
0x2c: {  	v0 =	vshll.u32 v4, $0x3;
	v3 =	vld.idx.msk [tilespmem:v7+s12+$0x0], $0xffff  }
0x2d: {  	v1 =	vand.u32 $0x7F, v4;
	v0 =	vand.u32 $0xFFFFFC00, v0;
	v4 =	vshll.u32 v2, $0x3;
	v5 =	vld.idx.msk [tilespmem:v6+s12+$0x0], $0xffff  }
0x2e: {  	v1 =	vor.u32 v1, v0;
	v2 =	vand.u32 $0x7F, v2;
	v0 =	vand.u32 $0xFFFFFC00, v4  }
0x2f: {  	v0 =	vor.u32 v2, v0  }
0x30: {  	v2 =	vor.u32 $0x80, v7  }
0x31: {  	s14 =	sand.u32 $0x3C00, s26;
	v4 =	vor.u32 $0x80, v6  }
0x32: {  	s0 =	sadd.s32 $0x9000, s14;
	v3 =	vmul.f32 v5, v3  }
0x33: {  	s8 =	sor.u32 s3, s0;
	v5 =	vld.idx.msk [tilespmem:v1+s12+$0x0], $0xffff  }
0x34: {  	v8 =	vld.idx.msk [tilespmem:v0+s12+$0x0], $0xffff;
	[tilespmem:s8+$0x0] =	vst v3  }
0x35: {  	v2 =	vld.idx.msk [tilespmem:v2+s12+$0x0], $0xffff  }
0x36: {  	v3 =	vld.idx.msk [tilespmem:v4+s12+$0x0], $0xffff  }
0x37: {  	v4 =	vor.u32 $0x80, v1  }
0x38: {  	v9 =	vor.u32 $0x80, v0  }
0x39: {  	v5 =	vmul.f32 v8, v5;
	v8 =	vor.u32 $0x100, v7  }
0x3a: {  	s21 =	simm.s32 $0x20;
	s0 =	sor.u32 s2, s0;
	v10 =	vor.u32 $0x100, v6  }
0x3b: {  	v11 =	vld [tilespmem:s21+$0x0];
	[tilespmem:s0+$0x0] =	vst v5;
	v2 =	vmul.f32 v3, v2  }
0x3c: {  	v3 =	vld.idx.msk [tilespmem:v4+s12+$0x0], $0xffff  }
0x3d: {  	s22 =	sand.u32 $0x60, s21;
	v4 =	vld.idx.msk [tilespmem:v9+s12+$0x0], $0xffff;
	[tilespmem:s8+$0x80] =	vst v2  }
0x3e: {  	s11 =	sor.u32 $0x10, s22;
	s3 =	sand.u32 $0x780, s21;
	v2 =	vld.idx.msk [tilespmem:v8+s12+$0x0], $0xffff  }
0x3f: {  	s3 =	sor.u32 s3, s11;
	v5 =	vld.idx.msk [tilespmem:v10+s12+$0x0], $0xffff  }
0x40: {  	v8 =	vld [tilespmem:s3+$0x0]  }
0x41: {  	v9 =	vld [tilespmem:s3+$0x800]  }
0x42: {  	s4 =	simm.s32 $0x820;
	v10 =	vor.u32 $0x180, v7  }
0x43: {  	v12 =	vld [tilespmem:s4+$0x0];
	v3 =	vmul.f32 v4, v3;
	v4 =	vor.u32 $0x180, v6  }
0x44: {  	v15 =	vand.u32 $0x7F, v11;
	v13 =	vor.u32 $0x100, v1;
	v2 =	vmul.f32 v5, v2  }
0x45: {  	v14 =	vor.u32 $0x100, v0;
	v5 =	vshll.u32 v11, $0x3;
	v11 =	vshll.u32 v8, $0x3  }
0x46: {  	v8 =	vand.u32 $0x7F, v8;
	[tilespmem:s8+$0x100] =	vst v2;
	v2 =	vand.u32 $0xFFFFFC00, v11;
	v11 =	vshll.u32 v9, $0x3  }
0x47: {  	v9 =	vand.u32 $0x7F, v9;
	v10 =	vld.idx.msk [tilespmem:v10+s12+$0x0], $0xffff;
	v2 =	vor.u32 v8, v2;
	v8 =	vand.u32 $0xFFFFFC00, v11  }
0x48: {  	[tilespmem:s0+$0x80] =	vst v3;
	v3 =	vand.u32 $0xFFFFFC00, v5;
	v11 =	vshll.u32 v12, $0x3;
	v16 =	vld.idx.msk [tilespmem:v4+s12+$0x0], $0xffff;
	v5 =	vor.u32 v9, v8  }
0x49: {  	v4 =	vor.u32 v15, v3;
	v8 =	vand.u32 $0x7F, v12;
	v9 =	vld.idx.msk [tilespmem:v13+s12+$0x0], $0xffff;
	v3 =	vand.u32 $0xFFFFFC00, v11  }
0x4a: {  	v11 =	vld.idx.msk [tilespmem:v14+s12+$0x0], $0xffff;
	v3 =	vor.u32 v8, v3  }
0x4b: {  	v8 =	vor.u32 $0x200, v7  }
0x4c: {  	v13 =	vor.u32 $0x200, v6;
	v12 =	vld.idx.msk [tilespmem:v2+s12+$0x0], $0xffff  }
0x4d: {  	v14 =	vor.u32 $0x180, v1;
	v10 =	vmul.f32 v16, v10;
	v15 =	vld.idx.msk [tilespmem:v5+s12+$0x0], $0xffff  }
0x4e: {  	v17 =	vor.u32 $0x180, v0;
	v16 =	vld.idx.msk [tilespmem:v4+s12+$0x0], $0xffff  }
0x4f: {  	v9 =	vmul.f32 v11, v9;
	v18 =	vld.idx.msk [tilespmem:v3+s12+$0x0], $0xffff;
	[tilespmem:s8+$0x180] =	vst v10  }
0x50: {  	s28 =	simm.s32 $0x100;
	v10 =	vor.u32 $0x80, v2;
	v8 =	vld.idx.msk [tilespmem:v8+s12+$0x0], $0xffff  }
0x51: {  	s5 =	sand.u32 $0x3C00, s28;
	v11 =	vor.u32 $0x80, v5;
	[tilespmem:s0+$0x100] =	vst v9;
	v9 =	vld.idx.msk [tilespmem:v13+s12+$0x0], $0xffff  }
0x52: {  	s3 =	sadd.s32 $0x9000, s5;
	v13 =	vld.idx.msk [tilespmem:v14+s12+$0x0], $0xffff;
	v12 =	vmul.f32 v15, v12  }
0x53: {  	s5 =	simm.s32 $0x40;
	s29 =	sor.u32 s11, s3;
	v14 =	vld.idx.msk [tilespmem:v17+s12+$0x0], $0xffff;
	v15 =	vor.u32 $0x80, v4  }
0x54: {  	v17 =	vld [tilespmem:s5+$0x0];
	v16 =	vmul.f32 v18, v16;
	v18 =	vor.u32 $0x280, v6;
	[tilespmem:s29+$0x0] =	vst v12  }
0x55: {  	v19 =	vor.u32 $0x80, v3;
	v10 =	vld.idx.msk [tilespmem:v10+s12+$0x0], $0xffff  }
0x56: {  	s2 =	simm.s32 $0x840;
	s30 =	sor.u32 s22, s3;
	v12 =	vor.u32 $0x280, v7;
	v8 =	vmul.f32 v9, v8;
	v11 =	vld.idx.msk [tilespmem:v11+s12+$0x0], $0xffff  }
0x57: {  	v9 =	vld [tilespmem:s2+$0x0];
	[tilespmem:s30+$0x0] =	vst v16;
	v16 =	vor.u32 $0x200, v1  }
0x58: {  	v20 =	vor.u32 $0x200, v0;
	[tilespmem:s8+$0x200] =	vst v8;
	v8 =	vmul.f32 v14, v13;
	v15 =	vld.idx.msk [tilespmem:v15+s12+$0x0], $0xffff  }
0x59: {  	v13 =	vor.u32 $0x100, v2;
	v14 =	vld.idx.msk [tilespmem:v18+s12+$0x0], $0xffff  }
0x5a: {  	v18 =	vor.u32 $0x100, v5;
	[tilespmem:s0+$0x180] =	vst v8;
	v8 =	vld.idx.msk [tilespmem:v19+s12+$0x0], $0xffff  }
0x5b: {  	v12 =	vld.idx.msk [tilespmem:v12+s12+$0x0], $0xffff;
	v10 =	vmul.f32 v11, v10  }
0x5c: {  	v11 =	vld.idx.msk [tilespmem:v16+s12+$0x0], $0xffff  }
0x5d: {  	s3 =	sand.u32 $0x60, s5;
	v16 =	vld.idx.msk [tilespmem:v20+s12+$0x0], $0xffff;
	v20 =	vor.u32 $0x100, v4;
	[tilespmem:s29+$0x80] =	vst v10  }
0x5e: {  	s13 =	sand.u32 $0x780, s5;
	s14 =	sor.u32 $0x10, s3;
	v10 =	vor.u32 $0x300, v7;
	v13 =	vld.idx.msk [tilespmem:v13+s12+$0x0], $0xffff  }
0x5f: {  	s11 =	sor.u32 s13, s14;
	v19 =	vor.u32 $0x300, v6;
	v18 =	vld.idx.msk [tilespmem:v18+s12+$0x0], $0xffff;
	v8 =	vmul.f32 v8, v15  }
0x60: {  	v21 =	vor.u32 $0x100, v3;
	v15 =	vld [tilespmem:s11+$0x800];
	v12 =	vmul.f32 v14, v12  }
0x61: {  	v22 =	vor.u32 $0x280, v1;
	v23 =	vand.u32 $0x7F, v9;
	v9 =	vshll.u32 v9, $0x3;
	v14 =	vld [tilespmem:s11+$0x0];
	[tilespmem:s30+$0x80] =	vst v8  }
0x62: {  	v9 =	vand.u32 $0xFFFFFC00, v9;
	v11 =	vmul.f32 v16, v11;
	v16 =	vor.u32 $0x280, v0;
	[tilespmem:s8+$0x280] =	vst v12;
	v20 =	vld.idx.msk [tilespmem:v20+s12+$0x0], $0xffff  }
0x63: {  	v8 =	vshll.u32 v17, $0x3;
	v12 =	vand.u32 $0x7F, v17;
	v17 =	vor.u32 $0x180, v2;
	v10 =	vld.idx.msk [tilespmem:v10+s12+$0x0], $0xffff  }
0x64: {  	v9 =	vor.u32 v23, v9;
	v8 =	vand.u32 $0xFFFFFC00, v8;
	v19 =	vld.idx.msk [tilespmem:v19+s12+$0x0], $0xffff  }
0x65: {  	v24 =	vor.u32 $0x180, v5;
	[tilespmem:s0+$0x200] =	vst v11;
	v8 =	vor.u32 v12, v8;
	v11 =	vld.idx.msk [tilespmem:v21+s12+$0x0], $0xffff;
	v12 =	vmul.f32 v18, v13  }
0x66: {  	s21 =	sand.u32 $0x3, s26;
	v18 =	vld.idx.msk [tilespmem:v22+s12+$0x0], $0xffff;
	v21 =	vand.u32 $0x7F, v15  }
0x67: {  	s8 =	sshll.u32 s21, $0x5;
	v22 =	vor.u32 $0x380, v7;
	v13 =	vand.u32 $0x7F, v14;
	v14 =	vshll.u32 v14, $0x3;
	[tilespmem:s29+$0x100] =	vst v12;
	v12 =	vld.idx.msk [tilespmem:v16+s12+$0x0], $0xffff  }
0x68: {  	s13 =	sadd.s32 $0x0, s8;
	v7 =	vand.u32 $0xFFFFFC00, v14;
	v14 =	vshll.u32 v15, $0x3;
	v15 =	vld.idx.msk [tilespmem:v17+s12+$0x0], $0xffff;
	v17 =	vor.u32 $0x380, v6  }
0x69: {  	s21 =	sadd.s32 $0x10, s13;
	v16 =	vld.idx.msk [tilespmem:v9+s12+$0x0], $0xffff;
	v6 =	vor.u32 v13, v7;
	v7 =	vand.u32 $0xFFFFFC00, v14;
	v10 =	vmul.f32 v19, v10  }
0x6a: {  	s22 =	sor.u32 $0x300, s21;
	v13 =	vld.idx.msk [tilespmem:v24+s12+$0x0], $0xffff;
	v7 =	vor.u32 v21, v7  }
0x6b: {  	v14 =	vld.idx.msk [tilespmem:v8+s12+$0x0], $0xffff;
	v19 =	vor.u32 $0x180, v4;
	[tilespmem:s22+$0x9000] =	vst v10  }
0x6c: {  	v27 =	vor.u32 $0x300, v0;
	v21 =	vld.idx.msk [tilespmem:v22+s12+$0x0], $0xffff  }
0x6d: {  	v11 =	vmul.f32 v11, v20;
	v10 =	vor.u32 $0x180, v3;
	v22 =	vld.idx.msk [tilespmem:v17+s12+$0x0], $0xffff  }
0x6e: {  	v20 =	vor.u32 $0x200, v2;
	v12 =	vmul.f32 v12, v18;
	v23 =	vld.idx.msk [tilespmem:v6+s12+$0x0], $0xffff  }
0x6f: {  	v63 =	vor.u32 $0x200, v5;
	[tilespmem:s30+$0x100] =	vst v11;
	v25 =	vld.idx.msk [tilespmem:v7+s12+$0x0], $0xffff  }
0x70: {  	v26 =	vor.u32 $0x300, v1;
	v11 =	vmul.f32 v13, v15;
	v15 =	vld.idx.msk [tilespmem:v19+s12+$0x0], $0xffff;
	[tilespmem:s0+$0x280] =	vst v12  }
0x71: {  	v12 =	vld.idx.msk [tilespmem:v27+s12+$0x0], $0xffff  }
0x72: {  	[tilespmem:s29+$0x180] =	vst v11;
	v17 =	vld.idx.msk [tilespmem:v10+s12+$0x0], $0xffff  }
0x73: {  	s31 =	simm.s32 $0x200;
	s8 =	simm.s32 $0x4;
	v18 =	vor.u32 $0x80, v6;
	v11 =	vld.idx.msk [tilespmem:v20+s12+$0x0], $0xffff;
	v22 =	vmul.f32 v22, v21  }
0x74: {  	s11 =	sor.u32 $0x300, s13;
	s4 =	sor.u32 $0x380, s21;
	s22 =	sand.u32 $0x3C00, s31;
	v19 =	vor.u32 $0x80, v7;
	v13 =	vld.idx.msk [tilespmem:v63+s12+$0x0], $0xffff  }
0x75: {  	s21 =	simm.s32 $0x60;
	s22 =	sadd.s32 $0x9000, s22;
	s0 =	sor.u32 $0x380, s13;
	v10 =	vld.idx.msk [tilespmem:v26+s12+$0x0], $0xffff;
	v20 =	vor.u32 $0x80, v8;
	v21 =	vmul.f32 v25, v23;
	[tilespmem:s4+$0x9000] =	vst v22  }
.LBB2_3:
0x76: {  	v22 =	vld [tilespmem:s21+$0x0];
	v14 =	vmul.f32 v16, v14;
	s13 =	sor.u32 s3, s22;
	v16 =	vor.u32 $0x80, v9;
	s22 =	sor.u32 s14, s22;
	s2 =	sadd.s32 $0x20, s2  }
0x77: {  	v15 =	vmul.f32 v17, v15;
	v17 =	vor.u32 $0x280, v2;
	v23 =	vld [tilespmem:s2+$0x0];
	[tilespmem:s22+$0x0] =	vst v21  }
0x78: {  	[tilespmem:s13+$0x0] =	vst v14;
	v14 =	vld.idx.msk [tilespmem:v18+s12+$0x0], $0xffff;
	v18 =	vor.u32 $0x280, v5  }
0x79: {  	v11 =	vmul.f32 v13, v11;
	v19 =	vld.idx.msk [tilespmem:v19+s12+$0x0], $0xffff;
	[tilespmem:s30+$0x180] =	vst v15;
	v15 =	vor.u32 $0x200, v4  }
0x7a: {  	v13 =	vld.idx.msk [tilespmem:v20+s12+$0x0], $0xffff;
	v20 =	vor.u32 $0x200, v3  }
0x7b: {  	v10 =	vmul.f32 v12, v10;
	v16 =	vld.idx.msk [tilespmem:v16+s12+$0x0], $0xffff;
	[tilespmem:s29+$0x200] =	vst v11;
	v11 =	vor.u32 $0x380, v1;
	v1 =	vmovc v4;
	v4 =	vmov v8  }
0x7c: {  	v12 =	vor.u32 $0x380, v0;
	v0 =	vmov v3;
	v3 =	vmov v9;
	v8 =	vld.idx.msk [tilespmem:v17+s12+$0x0], $0xffff  }
0x7d: {  	v9 =	vor.u32 $0x100, v6;
	v17 =	vld.idx.msk [tilespmem:v18+s12+$0x0], $0xffff;
	[tilespmem:s11+$0x9000] =	vst v10  }
0x7e: {  	v10 =	vor.u32 $0x100, v7;
	v15 =	vld.idx.msk [tilespmem:v15+s12+$0x0], $0xffff  }
0x7f: {  	v14 =	vmul.f32 v19, v14;
	v18 =	vld.idx.msk [tilespmem:v20+s12+$0x0], $0xffff  }
0x80: {  	s5 =	sadd.s32 $0x20, s5;
	v11 =	vld.idx.msk [tilespmem:v11+s12+$0x0], $0xffff  }
0x81: {  	s3 =	sand.u32 $0x60, s5;
	v13 =	vmul.f32 v16, v13;
	[tilespmem:s22+$0x80] =	vst v14;
	v14 =	vor.u32 $0x300, v2;
	v12 =	vld.idx.msk [tilespmem:v12+s12+$0x0], $0xffff  }
0x82: {  	s4 =	sand.u32 $0x780, s5;
	s14 =	sor.u32 $0x10, s3;
	v16 =	vor.u32 $0x300, v5;
	v9 =	vld.idx.msk [tilespmem:v9+s12+$0x0], $0xffff  }
0x83: {  	s4 =	sor.u32 s4, s14;
	v8 =	vmul.f32 v17, v8;
	[tilespmem:s13+$0x80] =	vst v13;
	v13 =	vor.u32 $0x100, v4;
	v10 =	vld.idx.msk [tilespmem:v10+s12+$0x0], $0xffff  }
0x84: {  	v19 =	vor.u32 $0x100, v3;
	v17 =	vld [tilespmem:s4+$0x0]  }
0x85: {  	v15 =	vmul.f32 v18, v15;
	v18 =	vor.u32 $0x280, v1;
	v20 =	vld [tilespmem:s4+$0x800];
	[tilespmem:s29+$0x280] =	vst v8;
	s29 =	smov.u32 s22  }
0x86: {  	v24 =	vor.u32 $0x280, v0;
	v21 =	vand.u32 $0x7F, v23;
	v8 =	vand.u32 $0x7F, v22;
	v14 =	vld.idx.msk [tilespmem:v14+s12+$0x0], $0xffff  }
0x87: {  	v25 =	vor.u32 $0x180, v6;
	v22 =	vshll.u32 v22, $0x3;
	v11 =	vmul.f32 v12, v11;
	[tilespmem:s30+$0x200] =	vst v15;
	v15 =	vld.idx.msk [tilespmem:v16+s12+$0x0], $0xffff  }
0x88: {  	v12 =	vand.u32 $0xFFFFFC00, v22;
	v22 =	vor.u32 $0x180, v7;
	v16 =	vshll.u32 v23, $0x3;
	v13 =	vld.idx.msk [tilespmem:v13+s12+$0x0], $0xffff  }
0x89: {  	s26 =	sadd.s32 $0x1, s26;
	v8 =	vor.u32 v8, v12;
	v12 =	vand.u32 $0xFFFFFC00, v16;
	v10 =	vmul.f32 v10, v9;
	v19 =	vld.idx.msk [tilespmem:v19+s12+$0x0], $0xffff;
	[tilespmem:s0+$0x9000] =	vst v11  }
0x8a: {  	v9 =	vor.u32 v21, v12;
	v11 =	vand.u32 $0x7F, v17;
	s0 =	sand.u32 $0x3, s26;
	v12 =	vld.idx.msk [tilespmem:v18+s12+$0x0], $0xffff  }
0x8b: {  	s8 =	sadd.s32 $0x2, s8;
	v16 =	vshll.u32 v17, $0x3;
	v17 =	vand.u32 $0x7F, v20;
	s0 =	sshll.u32 s0, $0x5;
	v18 =	vor.u32 $0x380, v2;
	v2 =	vmovc v6;
	[tilespmem:s29+$0x100] =	vst v10;
	v10 =	vld.idx.msk [tilespmem:v24+s12+$0x0], $0xffff  }
0x8c: {  	p1 =	slt.u32 s8, $0x7E;
	v21 =	vor.u32 $0x380, v5;
	v5 =	vmovc v7;
	v6 =	vand.u32 $0xFFFFFC00, v16;
	v16 =	vshll.u32 v20, $0x3;
	s4 =	sadd.s32 s0, s28;
	s28 =	smov.u32 s31;
	v20 =	vld.idx.msk [tilespmem:v25+s12+$0x0], $0xffff  }
0x8d: {  	v6 =	vor.u32 v11, v6;
	v7 =	vand.u32 $0xFFFFFC00, v16;
	s11 =	sor.u32 $0x300, s4;
	s0 =	sor.u32 $0x380, s4;
	v15 =	vmul.f32 v15, v14;
	s4 =	sadd.s32 $0x10, s4;
	v11 =	vld.idx.msk [tilespmem:v22+s12+$0x0], $0xffff  }
0x8e: {  	v7 =	vor.u32 v17, v7;
	s22 =	sor.u32 $0x300, s4;
	v14 =	vld.idx.msk [tilespmem:v8+s12+$0x0], $0xffff  }
0x8f: {  	v17 =	vor.u32 $0x180, v4;
	v13 =	vmul.f32 v19, v13;
	v16 =	vld.idx.msk [tilespmem:v9+s12+$0x0], $0xffff;
	[tilespmem:s22+$0x9000] =	vst v15  }
0x90: {  	v19 =	vor.u32 $0x180, v3;
	v22 =	vld.idx.msk [tilespmem:v18+s12+$0x0], $0xffff  }
0x91: {  	v10 =	vmul.f32 v10, v12;
	[tilespmem:s13+$0x100] =	vst v13;
	v13 =	vor.u32 $0x200, v2;
	v12 =	vld.idx.msk [tilespmem:v21+s12+$0x0], $0xffff  }
0x92: {  	v23 =	vor.u32 $0x200, v5;
	v21 =	vld.idx.msk [tilespmem:v6+s12+$0x0], $0xffff  }
0x93: {  	v11 =	vmul.f32 v11, v20;
	v24 =	vld.idx.msk [tilespmem:v7+s12+$0x0], $0xffff;
	[tilespmem:s30+$0x280] =	vst v10;
	v10 =	vor.u32 $0x300, v1;
	s30 =	smov.u32 s13  }
0x94: {  	v25 =	vor.u32 $0x300, v0;
	v15 =	vld.idx.msk [tilespmem:v17+s12+$0x0], $0xffff  }
.Ltmp0:
0x95: {  	v17 =	vld.idx.msk [tilespmem:v19+s12+$0x0], $0xffff;
	[tilespmem:s29+$0x180] =	vst v11;
	(pc) =	sbr.rel @p1 .LBB2_3-.Ltmp0, $4  }
0x96: {  	v11 =	vld.idx.msk [tilespmem:v13+s12+$0x0], $0xffff  }
0x97: {  	s31 =	sadd.s32 $0x100, s31;
	v18 =	vor.u32 $0x80, v6;
	v22 =	vmul.f32 v12, v22;
	v13 =	vld.idx.msk [tilespmem:v23+s12+$0x0], $0xffff  }
0x98: {  	s4 =	sor.u32 $0x380, s4;
	s13 =	sand.u32 $0x3C00, s31;
	v19 =	vor.u32 $0x80, v7;
	v10 =	vld.idx.msk [tilespmem:v10+s12+$0x0], $0xffff  }
0x99: {  	s21 =	sadd.s32 $0x20, s21;
	v20 =	vor.u32 $0x80, v8;
	s22 =	sadd.s32 $0x9000, s13;
	v21 =	vmul.f32 v24, v21;
	v12 =	vld.idx.msk [tilespmem:v25+s12+$0x0], $0xffff;
	[tilespmem:s4+$0x9000] =	vst v22  }
0x9a: {  	_ =	sdelay $0x1  }
0x9b: {  	v22 =	vor.u32 $0x80, v9;
	s5 =	sor.u32 s14, s22  }
0x9c: {  	v14 =	vmul.f32 v16, v14;
	[tilespmem:s5+$0x0] =	vst v21  }
0x9d: {  	s2 =	sor.u32 s3, s22;
	v37 =	vld.idx.msk [tilespmem:v18+s12+$0x0], $0xffff  }
0x9e: {  	[tilespmem:s2+$0x0] =	vst v14;
	v38 =	vld.idx.msk [tilespmem:v19+s12+$0x0], $0xffff  }
0x9f: {  	v39 =	vld.idx.msk [tilespmem:v20+s12+$0x0], $0xffff  }
0xa0: {  	v40 =	vld.idx.msk [tilespmem:v22+s12+$0x0], $0xffff  }
0xa1: {  	v41 =	vor.u32 $0x100, v6  }
0xa2: {  	v42 =	vor.u32 $0x100, v7  }
0xa3: {  	v43 =	vor.u32 $0x100, v8;
	v14 =	vmul.f32 v38, v37  }
0xa4: {  	v44 =	vor.u32 $0x100, v9  }
0xa5: {  	[tilespmem:s5+$0x80] =	vst v14;
	v18 =	vmul.f32 v40, v39  }
0xa6: {  	v14 =	vld.idx.msk [tilespmem:v41+s12+$0x0], $0xffff  }
0xa7: {  	v45 =	vld.idx.msk [tilespmem:v42+s12+$0x0], $0xffff;
	[tilespmem:s2+$0x80] =	vst v18  }
0xa8: {  	v16 =	vld.idx.msk [tilespmem:v43+s12+$0x0], $0xffff  }
0xa9: {  	v46 =	vld.idx.msk [tilespmem:v44+s12+$0x0], $0xffff  }
0xaa: {  	v47 =	vor.u32 $0x180, v6  }
0xab: {  	v48 =	vor.u32 $0x180, v7  }
0xac: {  	v49 =	vor.u32 $0x180, v8;
	v14 =	vmul.f32 v45, v14  }
0xad: {  	v50 =	vor.u32 $0x180, v9  }
0xae: {  	[tilespmem:s5+$0x100] =	vst v14;
	v51 =	vmul.f32 v46, v16  }
0xaf: {  	v55 =	vor.u32 $0x200, v3;
	v52 =	vld.idx.msk [tilespmem:v47+s12+$0x0], $0xffff  }
0xb0: {  	v54 =	vor.u32 $0x200, v4;
	v53 =	vld.idx.msk [tilespmem:v48+s12+$0x0], $0xffff;
	[tilespmem:s2+$0x100] =	vst v51  }
0xb1: {  	v15 =	vmul.f32 v17, v15;
	v18 =	vld.idx.msk [tilespmem:v49+s12+$0x0], $0xffff  }
0xb2: {  	v56 =	vld.idx.msk [tilespmem:v50+s12+$0x0], $0xffff  }
0xb3: {  	v57 =	vor.u32 $0x200, v6;
	[tilespmem:s30+$0x180] =	vst v15  }
0xb4: {  	v58 =	vor.u32 $0x200, v7;
	v20 =	vld.idx.msk [tilespmem:v55+s12+$0x0], $0xffff  }
0xb5: {  	v60 =	vor.u32 $0x200, v8;
	v14 =	vld.idx.msk [tilespmem:v54+s12+$0x0], $0xffff;
	v59 =	vmul.f32 v53, v52  }
0xb6: {  	v61 =	vor.u32 $0x200, v9  }
0xb7: {  	[tilespmem:s5+$0x180] =	vst v59;
	v62 =	vmul.f32 v56, v18  }
0xb8: {  	v25 =	vor.u32 $0x280, v4;
	v17 =	vld.idx.msk [tilespmem:v57+s12+$0x0], $0xffff  }
0xb9: {  	v26 =	vor.u32 $0x280, v3;
	v22 =	vld.idx.msk [tilespmem:v58+s12+$0x0], $0xffff;
	[tilespmem:s2+$0x180] =	vst v62  }
0xba: {  	v24 =	vor.u32 $0x280, v5;
	v27 =	vmul.f32 v20, v14;
	v15 =	vld.idx.msk [tilespmem:v60+s12+$0x0], $0xffff  }
0xbb: {  	v63 =	vor.u32 $0x280, v2;
	v19 =	vld.idx.msk [tilespmem:v61+s12+$0x0], $0xffff  }
0xbc: {  	v28 =	vor.u32 $0x280, v6;
	v11 =	vmul.f32 v13, v11;
	[tilespmem:s30+$0x200] =	vst v27  }
0xbd: {  	v29 =	vor.u32 $0x280, v7;
	v13 =	vld.idx.msk [tilespmem:v25+s12+$0x0], $0xffff  }
0xbe: {  	v31 =	vor.u32 $0x280, v8;
	[tilespmem:s29+$0x200] =	vst v11;
	v33 =	vld.idx.msk [tilespmem:v26+s12+$0x0], $0xffff;
	v30 =	vmul.f32 v22, v17  }
0xbf: {  	v32 =	vor.u32 $0x280, v9;
	v21 =	vld.idx.msk [tilespmem:v24+s12+$0x0], $0xffff  }
0xc0: {  	v1 =	vor.u32 $0x380, v1;
	v18 =	vld.idx.msk [tilespmem:v63+s12+$0x0], $0xffff;
	[tilespmem:s5+$0x200] =	vst v30;
	v15 =	vmul.f32 v19, v15  }
0xc1: {  	v38 =	vor.u32 $0x300, v4;
	v14 =	vld.idx.msk [tilespmem:v28+s12+$0x0], $0xffff  }
0xc2: {  	v10 =	vmul.f32 v12, v10;
	v39 =	vor.u32 $0x300, v3;
	v36 =	vld.idx.msk [tilespmem:v29+s12+$0x0], $0xffff;
	[tilespmem:s2+$0x200] =	vst v15  }
0xc3: {  	v35 =	vor.u32 $0x300, v5;
	v11 =	vmul.f32 v33, v13;
	v17 =	vld.idx.msk [tilespmem:v31+s12+$0x0], $0xffff  }
0xc4: {  	v34 =	vor.u32 $0x300, v2;
	[tilespmem:s11+$0x9000] =	vst v10;
	v40 =	vld.idx.msk [tilespmem:v32+s12+$0x0], $0xffff  }
0xc5: {  	v1 =	vld.idx.msk [tilespmem:v1+s12+$0x0], $0xffff;
	v41 =	vor.u32 $0x300, v6;
	v37 =	vmul.f32 v21, v18;
	[tilespmem:s30+$0x280] =	vst v11  }
0xc6: {  	v42 =	vor.u32 $0x300, v7;
	v18 =	vld.idx.msk [tilespmem:v38+s12+$0x0], $0xffff  }
0xc7: {  	v44 =	vor.u32 $0x300, v8;
	[tilespmem:s29+$0x280] =	vst v37;
	v10 =	vld.idx.msk [tilespmem:v39+s12+$0x0], $0xffff;
	v43 =	vmul.f32 v36, v14  }
0xc8: {  	v45 =	vor.u32 $0x300, v9;
	v12 =	vld.idx.msk [tilespmem:v35+s12+$0x0], $0xffff  }
0xc9: {  	s8 =	sadd.s32 $0x1, s26;
	v0 =	vor.u32 $0x380, v0;
	v15 =	vld.idx.msk [tilespmem:v34+s12+$0x0], $0xffff;
	[tilespmem:s5+$0x280] =	vst v43;
	v46 =	vmul.f32 v40, v17  }
0xca: {  	s4 =	sand.u32 $0x3, s8;
	v50 =	vor.u32 $0x380, v4;
	v13 =	vld.idx.msk [tilespmem:v41+s12+$0x0], $0xffff  }
0xcb: {  	s4 =	sshll.u32 s4, $0x5;
	v52 =	vor.u32 $0x380, v3;
	v16 =	vld.idx.msk [tilespmem:v42+s12+$0x0], $0xffff;
	[tilespmem:s2+$0x280] =	vst v46  }
0xcc: {  	s3 =	sadd.s32 $0x1, s8;
	s4 =	sadd.s32 s4, s28;
	v47 =	vor.u32 $0x380, v2;
	v10 =	vmul.f32 v10, v18;
	v51 =	vld.idx.msk [tilespmem:v44+s12+$0x0], $0xffff  }
0xcd: {  	s3 =	sand.u32 $0x3, s3;
	s14 =	sor.u32 $0x300, s4;
	v48 =	vor.u32 $0x380, v5;
	v53 =	vld.idx.msk [tilespmem:v45+s12+$0x0], $0xffff  }
0xce: {  	s3 =	sshll.u32 s3, $0x5;
	s11 =	sadd.s32 $0x10, s4;
	v0 =	vld.idx.msk [tilespmem:v0+s12+$0x0], $0xffff;
	v54 =	vor.u32 $0x380, v6;
	[tilespmem:s14+$0x9000] =	vst v10;
	v49 =	vmul.f32 v12, v15  }
0xcf: {  	s3 =	sadd.s32 s3, s31;
	v55 =	vor.u32 $0x380, v7;
	s13 =	sor.u32 $0x300, s11;
	v4 =	vld.idx.msk [tilespmem:v50+s12+$0x0], $0xffff  }
0xd0: {  	s21 =	sadd.s32 $0x10, s3;
	v57 =	vor.u32 $0x380, v8;
	v3 =	vld.idx.msk [tilespmem:v52+s12+$0x0], $0xffff;
	[tilespmem:s13+$0x9000] =	vst v49;
	v56 =	vmul.f32 v16, v13  }
0xd1: {  	s8 =	sor.u32 $0x300, s21;
	v58 =	vor.u32 $0x380, v9;
	v2 =	vld.idx.msk [tilespmem:v47+s12+$0x0], $0xffff  }
0xd2: {  	v5 =	vld.idx.msk [tilespmem:v48+s12+$0x0], $0xffff;
	[tilespmem:s8+$0x9000] =	vst v56;
	v59 =	vmul.f32 v53, v51  }
0xd3: {  	s22 =	sor.u32 $0x300, s3;
	v6 =	vld.idx.msk [tilespmem:v54+s12+$0x0], $0xffff  }
0xd4: {  	v7 =	vld.idx.msk [tilespmem:v55+s12+$0x0], $0xffff;
	[tilespmem:s22+$0x9000] =	vst v59  }
0xd5: {  	v8 =	vld.idx.msk [tilespmem:v57+s12+$0x0], $0xffff  }
0xd6: {  	v9 =	vld.idx.msk [tilespmem:v58+s12+$0x0], $0xffff  }
0xd7: {  	v0 =	vmul.f32 v0, v1  }
0xd8: {  	v61 =	vmul.f32 v3, v4  }
0xd9: {  	p1 =	sne.s32 s23, $0x1F;
	s28 =	sor.u32 $0x380, s4;
	[tilespmem:s0+$0x9000] =	vst v0;
	v60 =	vmul.f32 v5, v2  }
.Ltmp1:
0xda: {  	s26 =	sor.u32 $0x380, s11;
	[tilespmem:s28+$0x9000] =	vst v61;
	v62 =	vmul.f32 v7, v6;
	(pc) =	sbr.rel @p1 .LBB2_6-.Ltmp1, $4  }
0xdb: {  	s29 =	sor.u32 $0x380, s21;
	[tilespmem:s26+$0x9000] =	vst v60;
	v63 =	vmul.f32 v9, v8  }
0xdc: {  	s31 =	sshll.u32 s23, $0xC;
	s30 =	sor.u32 $0x380, s3;
	[tilespmem:s29+$0x9000] =	vst v62  }
0xdd: {  	s0 =	sadd.s32 s31, s9;
	[tilespmem:s30+$0x9000] =	vst v63  }
0xde: {  	[hbm4b:s0+s6] =	stream.linear.scatter [tilespmem:s17], [sflag:$0x3], $0x4000, $0x38;
	[tilespmem:$0x11000] =	vst v63  }
.Ltmp2:
0xdf: {  	(pc) =	sbr.rel .LBB2_7-.Ltmp2, $4  }
0xe0: {  	_ = 	snop  }
0xe1: {  	_ =	swait.ge [sflag:s18], $0x4000  }
0xe2: {  	[sflag:s18] =	ssyncset.done $0x0  }
0xe3: {  	[sflag:s18] =	ssyncadd.s32 $0xFFFFC000  }
.LBB2_6:
0xe4: {  	s0 =	rddreg [dreg:$0x6]  }
0xe5: {  	s0 =	sadd.s32 s25, s0  }
0xe6: {  	s0 =	sshll.u32 s0, $0xB  }
0xe7: {  	s0 =	sand.u32 $0x1FFFF000, s0  }
.Ltmp3:
0xe8: {  	s0 =	sadd.s32 s1, s0;
	(pc) =	sbr.rel @p0 .LBB2_8-.Ltmp3, $4  }
0xe9: {  	[tilespmem:s12], [sflag:$0x1] =	stream.linear.gather [hbm4b:s0+s6], $0x4000, $0x38;
	[tilespmem:$0x11000] =	vst v63  }
0xea: {  	_ =	swait.ge [sflag:s18], $0x4000  }
0xeb: {  	[sflag:s18] =	ssyncset.done $0x0  }
0xec: {  	[sflag:s18] =	ssyncadd.s32 $0xFFFFC000  }
.LBB2_7:
0xed: {  	_ =	swait.ge [sflag:s19], $0x4000  }
0xee: {  	[sflag:s19] =	ssyncset.done $0x0  }
0xef: {  	[sflag:s19] =	ssyncadd.s32 $0xFFFFC000  }
.LBB2_8:
0xf0: {  	s25 =	simm.s32 $0x0  }
0xf1: {  	s0 =	sand.u32 $0x60, s25  }
0xf2: {  	s3 =	sand.u32 $0x780, s25;
	s2 =	sor.u32 $0x10, s0  }
0xf3: {  	s3 =	sor.u32 s3, s2  }
0xf4: {  	v0 =	vld [tilespmem:s3+$0x0]  }
0xf5: {  	v1 =	vld [tilespmem:s3+$0x800];
	_ =	sdelay $0x3  }
0xf6: {  	v2 =	vshll.u32 v0, $0x3  }
0xf7: {  	v0 =	vand.u32 $0x7F, v0;
	v3 =	vshll.u32 v1, $0x3;
	v2 =	vand.u32 $0xFFFFFC00, v2  }
0xf8: {  	s22 =	simm.s32 $0x800;
	v4 =	vld [tilespmem:s25+$0x0];
	v1 =	vand.u32 $0x7F, v1;
	v7 =	vor.u32 v0, v2;
	v0 =	vand.u32 $0xFFFFFC00, v3  }
0xf9: {  	v2 =	vld [tilespmem:s22+$0x0];
	v6 =	vor.u32 v1, v0;
	_ =	sdelay $0x3  }
0xfa: {  	v0 =	vshll.u32 v4, $0x3;
	v3 =	vld.idx.msk [tilespmem:v7+s15+$0x0], $0xffff  }
0xfb: {  	v1 =	vand.u32 $0x7F, v4;
	v0 =	vand.u32 $0xFFFFFC00, v0;
	v4 =	vshll.u32 v2, $0x3;
	v5 =	vld.idx.msk [tilespmem:v6+s15+$0x0], $0xffff  }
0xfc: {  	v1 =	vor.u32 v1, v0;
	v2 =	vand.u32 $0x7F, v2;
	v0 =	vand.u32 $0xFFFFFC00, v4  }
0xfd: {  	v0 =	vor.u32 v2, v0  }
0xfe: {  	v2 =	vor.u32 $0x80, v7  }
0xff: {  	s26 =	sand.u32 $0x3C00, s25;
	v4 =	vor.u32 $0x80, v6  }
0x100: {  	s3 =	sadd.s32 $0xD000, s26;
	v3 =	vmul.f32 v5, v3  }
0x101: {  	s8 =	sor.u32 s2, s3;
	v5 =	vld.idx.msk [tilespmem:v1+s15+$0x0], $0xffff  }
0x102: {  	v8 =	vld.idx.msk [tilespmem:v0+s15+$0x0], $0xffff;
	[tilespmem:s8+$0x0] =	vst v3  }
0x103: {  	v2 =	vld.idx.msk [tilespmem:v2+s15+$0x0], $0xffff  }
0x104: {  	v3 =	vld.idx.msk [tilespmem:v4+s15+$0x0], $0xffff  }
0x105: {  	v4 =	vor.u32 $0x80, v1  }
0x106: {  	v9 =	vor.u32 $0x80, v0  }
0x107: {  	v5 =	vmul.f32 v8, v5;
	v8 =	vor.u32 $0x100, v7  }
0x108: {  	s4 =	simm.s32 $0x20;
	s0 =	sor.u32 s0, s3;
	v10 =	vor.u32 $0x100, v6  }
0x109: {  	v11 =	vld [tilespmem:s4+$0x0];
	[tilespmem:s0+$0x0] =	vst v5;
	v2 =	vmul.f32 v3, v2  }
0x10a: {  	v3 =	vld.idx.msk [tilespmem:v4+s15+$0x0], $0xffff  }
0x10b: {  	s31 =	sand.u32 $0x60, s4;
	v4 =	vld.idx.msk [tilespmem:v9+s15+$0x0], $0xffff;
	[tilespmem:s8+$0x80] =	vst v2  }
0x10c: {  	s4 =	sand.u32 $0x780, s4;
	s11 =	sor.u32 $0x10, s31;
	v2 =	vld.idx.msk [tilespmem:v8+s15+$0x0], $0xffff  }
0x10d: {  	s4 =	sor.u32 s4, s11;
	v5 =	vld.idx.msk [tilespmem:v10+s15+$0x0], $0xffff  }
0x10e: {  	v8 =	vld [tilespmem:s4+$0x0]  }
0x10f: {  	v9 =	vld [tilespmem:s4+$0x800]  }
0x110: {  	s13 =	simm.s32 $0x820;
	v10 =	vor.u32 $0x180, v7  }
0x111: {  	v12 =	vld [tilespmem:s13+$0x0];
	v3 =	vmul.f32 v4, v3;
	v4 =	vor.u32 $0x180, v6  }
0x112: {  	v15 =	vand.u32 $0x7F, v11;
	v13 =	vor.u32 $0x100, v1;
	v2 =	vmul.f32 v5, v2  }
0x113: {  	v14 =	vor.u32 $0x100, v0;
	v5 =	vshll.u32 v11, $0x3;
	v11 =	vshll.u32 v8, $0x3  }
0x114: {  	v8 =	vand.u32 $0x7F, v8;
	[tilespmem:s8+$0x100] =	vst v2;
	v2 =	vand.u32 $0xFFFFFC00, v11;
	v11 =	vshll.u32 v9, $0x3  }
0x115: {  	v9 =	vand.u32 $0x7F, v9;
	v10 =	vld.idx.msk [tilespmem:v10+s15+$0x0], $0xffff;
	v2 =	vor.u32 v8, v2;
	v8 =	vand.u32 $0xFFFFFC00, v11  }
0x116: {  	[tilespmem:s0+$0x80] =	vst v3;
	v3 =	vand.u32 $0xFFFFFC00, v5;
	v11 =	vshll.u32 v12, $0x3;
	v16 =	vld.idx.msk [tilespmem:v4+s15+$0x0], $0xffff;
	v5 =	vor.u32 v9, v8  }
0x117: {  	v4 =	vor.u32 v15, v3;
	v8 =	vand.u32 $0x7F, v12;
	v9 =	vld.idx.msk [tilespmem:v13+s15+$0x0], $0xffff;
	v3 =	vand.u32 $0xFFFFFC00, v11  }
0x118: {  	v11 =	vld.idx.msk [tilespmem:v14+s15+$0x0], $0xffff;
	v3 =	vor.u32 v8, v3  }
0x119: {  	v8 =	vor.u32 $0x200, v7  }
0x11a: {  	v13 =	vor.u32 $0x200, v6;
	v12 =	vld.idx.msk [tilespmem:v2+s15+$0x0], $0xffff  }
0x11b: {  	v14 =	vor.u32 $0x180, v1;
	v10 =	vmul.f32 v16, v10;
	v15 =	vld.idx.msk [tilespmem:v5+s15+$0x0], $0xffff  }
0x11c: {  	v17 =	vor.u32 $0x180, v0;
	v16 =	vld.idx.msk [tilespmem:v4+s15+$0x0], $0xffff  }
0x11d: {  	v9 =	vmul.f32 v11, v9;
	v18 =	vld.idx.msk [tilespmem:v3+s15+$0x0], $0xffff;
	[tilespmem:s8+$0x180] =	vst v10  }
0x11e: {  	s26 =	simm.s32 $0x100;
	v10 =	vor.u32 $0x80, v2;
	v8 =	vld.idx.msk [tilespmem:v8+s15+$0x0], $0xffff  }
0x11f: {  	s14 =	sand.u32 $0x3C00, s26;
	v11 =	vor.u32 $0x80, v5;
	[tilespmem:s0+$0x100] =	vst v9;
	v9 =	vld.idx.msk [tilespmem:v13+s15+$0x0], $0xffff  }
0x120: {  	s4 =	sadd.s32 $0xD000, s14;
	v13 =	vld.idx.msk [tilespmem:v14+s15+$0x0], $0xffff;
	v12 =	vmul.f32 v15, v12  }
0x121: {  	s5 =	simm.s32 $0x40;
	s28 =	sor.u32 s11, s4;
	v14 =	vld.idx.msk [tilespmem:v17+s15+$0x0], $0xffff;
	v15 =	vor.u32 $0x80, v4  }
0x122: {  	v17 =	vld [tilespmem:s5+$0x0];
	v16 =	vmul.f32 v18, v16;
	v18 =	vor.u32 $0x280, v6;
	[tilespmem:s28+$0x0] =	vst v12  }
0x123: {  	v19 =	vor.u32 $0x80, v3;
	v10 =	vld.idx.msk [tilespmem:v10+s15+$0x0], $0xffff  }
0x124: {  	s2 =	simm.s32 $0x840;
	s29 =	sor.u32 s31, s4;
	v12 =	vor.u32 $0x280, v7;
	v8 =	vmul.f32 v9, v8;
	v11 =	vld.idx.msk [tilespmem:v11+s15+$0x0], $0xffff  }
0x125: {  	v9 =	vld [tilespmem:s2+$0x0];
	[tilespmem:s29+$0x0] =	vst v16;
	v16 =	vor.u32 $0x200, v1  }
0x126: {  	v20 =	vor.u32 $0x200, v0;
	[tilespmem:s8+$0x200] =	vst v8;
	v8 =	vmul.f32 v14, v13;
	v15 =	vld.idx.msk [tilespmem:v15+s15+$0x0], $0xffff  }
0x127: {  	v13 =	vor.u32 $0x100, v2;
	v14 =	vld.idx.msk [tilespmem:v18+s15+$0x0], $0xffff  }
0x128: {  	v18 =	vor.u32 $0x100, v5;
	[tilespmem:s0+$0x180] =	vst v8;
	v8 =	vld.idx.msk [tilespmem:v19+s15+$0x0], $0xffff  }
0x129: {  	v12 =	vld.idx.msk [tilespmem:v12+s15+$0x0], $0xffff;
	v10 =	vmul.f32 v11, v10  }
0x12a: {  	v11 =	vld.idx.msk [tilespmem:v16+s15+$0x0], $0xffff  }
0x12b: {  	s3 =	sand.u32 $0x60, s5;
	v16 =	vld.idx.msk [tilespmem:v20+s15+$0x0], $0xffff;
	v20 =	vor.u32 $0x100, v4;
	[tilespmem:s28+$0x80] =	vst v10  }
0x12c: {  	s21 =	sand.u32 $0x780, s5;
	s14 =	sor.u32 $0x10, s3;
	v10 =	vor.u32 $0x300, v7;
	v13 =	vld.idx.msk [tilespmem:v13+s15+$0x0], $0xffff  }
0x12d: {  	s4 =	sor.u32 s21, s14;
	v19 =	vor.u32 $0x300, v6;
	v18 =	vld.idx.msk [tilespmem:v18+s15+$0x0], $0xffff;
	v8 =	vmul.f32 v8, v15  }
0x12e: {  	v21 =	vor.u32 $0x100, v3;
	v15 =	vld [tilespmem:s4+$0x800];
	v12 =	vmul.f32 v14, v12  }
0x12f: {  	v22 =	vor.u32 $0x280, v1;
	v23 =	vand.u32 $0x7F, v9;
	v9 =	vshll.u32 v9, $0x3;
	v14 =	vld [tilespmem:s4+$0x0];
	[tilespmem:s29+$0x80] =	vst v8  }
0x130: {  	v9 =	vand.u32 $0xFFFFFC00, v9;
	v11 =	vmul.f32 v16, v11;
	v16 =	vor.u32 $0x280, v0;
	[tilespmem:s8+$0x280] =	vst v12;
	v20 =	vld.idx.msk [tilespmem:v20+s15+$0x0], $0xffff  }
0x131: {  	v8 =	vshll.u32 v17, $0x3;
	v12 =	vand.u32 $0x7F, v17;
	v17 =	vor.u32 $0x180, v2;
	v10 =	vld.idx.msk [tilespmem:v10+s15+$0x0], $0xffff  }
0x132: {  	v9 =	vor.u32 v23, v9;
	v8 =	vand.u32 $0xFFFFFC00, v8;
	v19 =	vld.idx.msk [tilespmem:v19+s15+$0x0], $0xffff  }
0x133: {  	v24 =	vor.u32 $0x180, v5;
	[tilespmem:s0+$0x200] =	vst v11;
	v8 =	vor.u32 v12, v8;
	v11 =	vld.idx.msk [tilespmem:v21+s15+$0x0], $0xffff;
	v12 =	vmul.f32 v18, v13  }
0x134: {  	s22 =	sand.u32 $0x3, s25;
	v18 =	vld.idx.msk [tilespmem:v22+s15+$0x0], $0xffff;
	v21 =	vand.u32 $0x7F, v15  }
0x135: {  	s4 =	sshll.u32 s22, $0x5;
	v22 =	vor.u32 $0x380, v7;
	v13 =	vand.u32 $0x7F, v14;
	v14 =	vshll.u32 v14, $0x3;
	[tilespmem:s28+$0x100] =	vst v12;
	v12 =	vld.idx.msk [tilespmem:v16+s15+$0x0], $0xffff  }
0x136: {  	s4 =	sadd.s32 $0x0, s4;
	v7 =	vand.u32 $0xFFFFFC00, v14;
	v14 =	vshll.u32 v15, $0x3;
	v15 =	vld.idx.msk [tilespmem:v17+s15+$0x0], $0xffff;
	v17 =	vor.u32 $0x380, v6  }
0x137: {  	s13 =	sadd.s32 $0x10, s4;
	v16 =	vld.idx.msk [tilespmem:v9+s15+$0x0], $0xffff;
	v6 =	vor.u32 v13, v7;
	v7 =	vand.u32 $0xFFFFFC00, v14;
	v10 =	vmul.f32 v19, v10  }
0x138: {  	s31 =	sor.u32 $0x300, s13;
	v13 =	vld.idx.msk [tilespmem:v24+s15+$0x0], $0xffff;
	v7 =	vor.u32 v21, v7  }
0x139: {  	v14 =	vld.idx.msk [tilespmem:v8+s15+$0x0], $0xffff;
	v19 =	vor.u32 $0x180, v4;
	[tilespmem:s31+$0xD000] =	vst v10  }
0x13a: {  	v27 =	vor.u32 $0x300, v0;
	v21 =	vld.idx.msk [tilespmem:v22+s15+$0x0], $0xffff  }
0x13b: {  	v11 =	vmul.f32 v11, v20;
	v10 =	vor.u32 $0x180, v3;
	v22 =	vld.idx.msk [tilespmem:v17+s15+$0x0], $0xffff  }
0x13c: {  	v20 =	vor.u32 $0x200, v2;
	v12 =	vmul.f32 v12, v18;
	v23 =	vld.idx.msk [tilespmem:v6+s15+$0x0], $0xffff  }
0x13d: {  	v63 =	vor.u32 $0x200, v5;
	[tilespmem:s29+$0x100] =	vst v11;
	v25 =	vld.idx.msk [tilespmem:v7+s15+$0x0], $0xffff  }
0x13e: {  	v26 =	vor.u32 $0x300, v1;
	v11 =	vmul.f32 v13, v15;
	v15 =	vld.idx.msk [tilespmem:v19+s15+$0x0], $0xffff;
	[tilespmem:s0+$0x280] =	vst v12  }
0x13f: {  	v12 =	vld.idx.msk [tilespmem:v27+s15+$0x0], $0xffff  }
0x140: {  	s30 =	simm.s32 $0x200;
	[tilespmem:s28+$0x180] =	vst v11;
	v17 =	vld.idx.msk [tilespmem:v10+s15+$0x0], $0xffff  }
0x141: {  	s21 =	sand.u32 $0x3C00, s30;
	v18 =	vor.u32 $0x80, v6;
	v11 =	vld.idx.msk [tilespmem:v20+s15+$0x0], $0xffff;
	v22 =	vmul.f32 v22, v21  }
0x142: {  	s22 =	sadd.s32 $0xD000, s21;
	s21 =	simm.s32 $0x60;
	s13 =	sor.u32 $0x380, s13;
	v19 =	vor.u32 $0x80, v7;
	v13 =	vld.idx.msk [tilespmem:v63+s15+$0x0], $0xffff  }
0x143: {  	s8 =	simm.s32 $0x4;
	s11 =	sor.u32 $0x300, s4;
	s0 =	sor.u32 $0x380, s4;
	v10 =	vld.idx.msk [tilespmem:v26+s15+$0x0], $0xffff;
	v20 =	vor.u32 $0x80, v8;
	v21 =	vmul.f32 v25, v23;
	[tilespmem:s13+$0xD000] =	vst v22  }
.LBB2_9:
0x144: {  	v22 =	vld [tilespmem:s21+$0x0];
	v14 =	vmul.f32 v16, v14;
	s13 =	sor.u32 s3, s22;
	v16 =	vor.u32 $0x80, v9;
	s22 =	sor.u32 s14, s22;
	s2 =	sadd.s32 $0x20, s2  }
0x145: {  	v15 =	vmul.f32 v17, v15;
	v17 =	vor.u32 $0x280, v2;
	v23 =	vld [tilespmem:s2+$0x0];
	[tilespmem:s22+$0x0] =	vst v21  }
0x146: {  	[tilespmem:s13+$0x0] =	vst v14;
	v14 =	vld.idx.msk [tilespmem:v18+s15+$0x0], $0xffff;
	v18 =	vor.u32 $0x280, v5  }
0x147: {  	v11 =	vmul.f32 v13, v11;
	v19 =	vld.idx.msk [tilespmem:v19+s15+$0x0], $0xffff;
	[tilespmem:s29+$0x180] =	vst v15;
	v15 =	vor.u32 $0x200, v4  }
0x148: {  	v13 =	vld.idx.msk [tilespmem:v20+s15+$0x0], $0xffff;
	v20 =	vor.u32 $0x200, v3  }
0x149: {  	v10 =	vmul.f32 v12, v10;
	v16 =	vld.idx.msk [tilespmem:v16+s15+$0x0], $0xffff;
	[tilespmem:s28+$0x200] =	vst v11;
	v11 =	vor.u32 $0x380, v1;
	v1 =	vmovc v4;
	v4 =	vmov v8  }
0x14a: {  	v12 =	vor.u32 $0x380, v0;
	v0 =	vmov v3;
	v3 =	vmov v9;
	v8 =	vld.idx.msk [tilespmem:v17+s15+$0x0], $0xffff  }
0x14b: {  	v9 =	vor.u32 $0x100, v6;
	v17 =	vld.idx.msk [tilespmem:v18+s15+$0x0], $0xffff;
	[tilespmem:s11+$0xD000] =	vst v10  }
0x14c: {  	v10 =	vor.u32 $0x100, v7;
	v15 =	vld.idx.msk [tilespmem:v15+s15+$0x0], $0xffff  }
0x14d: {  	v14 =	vmul.f32 v19, v14;
	v18 =	vld.idx.msk [tilespmem:v20+s15+$0x0], $0xffff  }
0x14e: {  	s5 =	sadd.s32 $0x20, s5;
	v11 =	vld.idx.msk [tilespmem:v11+s15+$0x0], $0xffff  }
0x14f: {  	s3 =	sand.u32 $0x60, s5;
	v13 =	vmul.f32 v16, v13;
	[tilespmem:s22+$0x80] =	vst v14;
	v14 =	vor.u32 $0x300, v2;
	v12 =	vld.idx.msk [tilespmem:v12+s15+$0x0], $0xffff  }
0x150: {  	s4 =	sand.u32 $0x780, s5;
	s14 =	sor.u32 $0x10, s3;
	v16 =	vor.u32 $0x300, v5;
	v9 =	vld.idx.msk [tilespmem:v9+s15+$0x0], $0xffff  }
0x151: {  	s4 =	sor.u32 s4, s14;
	v8 =	vmul.f32 v17, v8;
	[tilespmem:s13+$0x80] =	vst v13;
	v13 =	vor.u32 $0x100, v4;
	v10 =	vld.idx.msk [tilespmem:v10+s15+$0x0], $0xffff  }
0x152: {  	v19 =	vor.u32 $0x100, v3;
	v17 =	vld [tilespmem:s4+$0x0]  }
0x153: {  	v15 =	vmul.f32 v18, v15;
	v18 =	vor.u32 $0x280, v1;
	v20 =	vld [tilespmem:s4+$0x800];
	[tilespmem:s28+$0x280] =	vst v8;
	s28 =	smov.u32 s22  }
0x154: {  	v24 =	vor.u32 $0x280, v0;
	v21 =	vand.u32 $0x7F, v23;
	v8 =	vand.u32 $0x7F, v22;
	v14 =	vld.idx.msk [tilespmem:v14+s15+$0x0], $0xffff  }
0x155: {  	v25 =	vor.u32 $0x180, v6;
	v22 =	vshll.u32 v22, $0x3;
	v11 =	vmul.f32 v12, v11;
	[tilespmem:s29+$0x200] =	vst v15;
	v15 =	vld.idx.msk [tilespmem:v16+s15+$0x0], $0xffff  }
0x156: {  	v12 =	vand.u32 $0xFFFFFC00, v22;
	v22 =	vor.u32 $0x180, v7;
	v16 =	vshll.u32 v23, $0x3;
	v13 =	vld.idx.msk [tilespmem:v13+s15+$0x0], $0xffff  }
0x157: {  	s25 =	sadd.s32 $0x1, s25;
	v8 =	vor.u32 v8, v12;
	v12 =	vand.u32 $0xFFFFFC00, v16;
	v10 =	vmul.f32 v10, v9;
	v19 =	vld.idx.msk [tilespmem:v19+s15+$0x0], $0xffff;
	[tilespmem:s0+$0xD000] =	vst v11  }
0x158: {  	v9 =	vor.u32 v21, v12;
	v11 =	vand.u32 $0x7F, v17;
	s0 =	sand.u32 $0x3, s25;
	v12 =	vld.idx.msk [tilespmem:v18+s15+$0x0], $0xffff  }
0x159: {  	s8 =	sadd.s32 $0x2, s8;
	v16 =	vshll.u32 v17, $0x3;
	v17 =	vand.u32 $0x7F, v20;
	s0 =	sshll.u32 s0, $0x5;
	v18 =	vor.u32 $0x380, v2;
	v2 =	vmovc v6;
	[tilespmem:s28+$0x100] =	vst v10;
	v10 =	vld.idx.msk [tilespmem:v24+s15+$0x0], $0xffff  }
0x15a: {  	p0 =	slt.u32 s8, $0x7E;
	v21 =	vor.u32 $0x380, v5;
	v5 =	vmovc v7;
	v6 =	vand.u32 $0xFFFFFC00, v16;
	v16 =	vshll.u32 v20, $0x3;
	s4 =	sadd.s32 s0, s26;
	s26 =	smov.u32 s30;
	v20 =	vld.idx.msk [tilespmem:v25+s15+$0x0], $0xffff  }
0x15b: {  	v6 =	vor.u32 v11, v6;
	v7 =	vand.u32 $0xFFFFFC00, v16;
	s11 =	sor.u32 $0x300, s4;
	s0 =	sor.u32 $0x380, s4;
	v15 =	vmul.f32 v15, v14;
	s4 =	sadd.s32 $0x10, s4;
	v11 =	vld.idx.msk [tilespmem:v22+s15+$0x0], $0xffff  }
0x15c: {  	v7 =	vor.u32 v17, v7;
	s22 =	sor.u32 $0x300, s4;
	v14 =	vld.idx.msk [tilespmem:v8+s15+$0x0], $0xffff  }
0x15d: {  	v17 =	vor.u32 $0x180, v4;
	v13 =	vmul.f32 v19, v13;
	v16 =	vld.idx.msk [tilespmem:v9+s15+$0x0], $0xffff;
	[tilespmem:s22+$0xD000] =	vst v15  }
0x15e: {  	v19 =	vor.u32 $0x180, v3;
	v22 =	vld.idx.msk [tilespmem:v18+s15+$0x0], $0xffff  }
0x15f: {  	v10 =	vmul.f32 v10, v12;
	[tilespmem:s13+$0x100] =	vst v13;
	v13 =	vor.u32 $0x200, v2;
	v12 =	vld.idx.msk [tilespmem:v21+s15+$0x0], $0xffff  }
0x160: {  	v23 =	vor.u32 $0x200, v5;
	v21 =	vld.idx.msk [tilespmem:v6+s15+$0x0], $0xffff  }
0x161: {  	v11 =	vmul.f32 v11, v20;
	v24 =	vld.idx.msk [tilespmem:v7+s15+$0x0], $0xffff;
	[tilespmem:s29+$0x280] =	vst v10;
	v10 =	vor.u32 $0x300, v1;
	s29 =	smov.u32 s13  }
0x162: {  	v25 =	vor.u32 $0x300, v0;
	v15 =	vld.idx.msk [tilespmem:v17+s15+$0x0], $0xffff  }
.Ltmp4:
0x163: {  	v17 =	vld.idx.msk [tilespmem:v19+s15+$0x0], $0xffff;
	[tilespmem:s28+$0x180] =	vst v11;
	(pc) =	sbr.rel @p0 .LBB2_9-.Ltmp4, $4  }
0x164: {  	v11 =	vld.idx.msk [tilespmem:v13+s15+$0x0], $0xffff  }
0x165: {  	s30 =	sadd.s32 $0x100, s30;
	v18 =	vor.u32 $0x80, v6;
	v22 =	vmul.f32 v12, v22;
	v13 =	vld.idx.msk [tilespmem:v23+s15+$0x0], $0xffff  }
0x166: {  	s4 =	sor.u32 $0x380, s4;
	s13 =	sand.u32 $0x3C00, s30;
	v19 =	vor.u32 $0x80, v7;
	v10 =	vld.idx.msk [tilespmem:v10+s15+$0x0], $0xffff  }
0x167: {  	s21 =	sadd.s32 $0x20, s21;
	v20 =	vor.u32 $0x80, v8;
	s22 =	sadd.s32 $0xD000, s13;
	v21 =	vmul.f32 v24, v21;
	v12 =	vld.idx.msk [tilespmem:v25+s15+$0x0], $0xffff;
	[tilespmem:s4+$0xD000] =	vst v22  }
0x168: {  	_ =	sdelay $0x1  }
0x169: {  	v22 =	vor.u32 $0x80, v9;
	s5 =	sor.u32 s14, s22  }
0x16a: {  	v14 =	vmul.f32 v16, v14;
	[tilespmem:s5+$0x0] =	vst v21  }
0x16b: {  	s2 =	sor.u32 s3, s22;
	v37 =	vld.idx.msk [tilespmem:v18+s15+$0x0], $0xffff  }
0x16c: {  	[tilespmem:s2+$0x0] =	vst v14;
	v38 =	vld.idx.msk [tilespmem:v19+s15+$0x0], $0xffff  }
0x16d: {  	v39 =	vld.idx.msk [tilespmem:v20+s15+$0x0], $0xffff  }
0x16e: {  	v40 =	vld.idx.msk [tilespmem:v22+s15+$0x0], $0xffff  }
0x16f: {  	v41 =	vor.u32 $0x100, v6  }
0x170: {  	v42 =	vor.u32 $0x100, v7  }
0x171: {  	v43 =	vor.u32 $0x100, v8;
	v14 =	vmul.f32 v38, v37  }
0x172: {  	v44 =	vor.u32 $0x100, v9  }
0x173: {  	[tilespmem:s5+$0x80] =	vst v14;
	v18 =	vmul.f32 v40, v39  }
0x174: {  	v14 =	vld.idx.msk [tilespmem:v41+s15+$0x0], $0xffff  }
0x175: {  	v45 =	vld.idx.msk [tilespmem:v42+s15+$0x0], $0xffff;
	[tilespmem:s2+$0x80] =	vst v18  }
0x176: {  	v16 =	vld.idx.msk [tilespmem:v43+s15+$0x0], $0xffff  }
0x177: {  	v46 =	vld.idx.msk [tilespmem:v44+s15+$0x0], $0xffff  }
0x178: {  	v47 =	vor.u32 $0x180, v6  }
0x179: {  	v48 =	vor.u32 $0x180, v7  }
0x17a: {  	v49 =	vor.u32 $0x180, v8;
	v14 =	vmul.f32 v45, v14  }
0x17b: {  	v50 =	vor.u32 $0x180, v9  }
0x17c: {  	[tilespmem:s5+$0x100] =	vst v14;
	v51 =	vmul.f32 v46, v16  }
0x17d: {  	v55 =	vor.u32 $0x200, v3;
	v52 =	vld.idx.msk [tilespmem:v47+s15+$0x0], $0xffff  }
0x17e: {  	v54 =	vor.u32 $0x200, v4;
	v53 =	vld.idx.msk [tilespmem:v48+s15+$0x0], $0xffff;
	[tilespmem:s2+$0x100] =	vst v51  }
0x17f: {  	v15 =	vmul.f32 v17, v15;
	v18 =	vld.idx.msk [tilespmem:v49+s15+$0x0], $0xffff  }
0x180: {  	v56 =	vld.idx.msk [tilespmem:v50+s15+$0x0], $0xffff  }
0x181: {  	v57 =	vor.u32 $0x200, v6;
	[tilespmem:s29+$0x180] =	vst v15  }
0x182: {  	v58 =	vor.u32 $0x200, v7;
	v20 =	vld.idx.msk [tilespmem:v55+s15+$0x0], $0xffff  }
0x183: {  	v60 =	vor.u32 $0x200, v8;
	v14 =	vld.idx.msk [tilespmem:v54+s15+$0x0], $0xffff;
	v59 =	vmul.f32 v53, v52  }
0x184: {  	v61 =	vor.u32 $0x200, v9  }
0x185: {  	[tilespmem:s5+$0x180] =	vst v59;
	v62 =	vmul.f32 v56, v18  }
0x186: {  	v25 =	vor.u32 $0x280, v4;
	v17 =	vld.idx.msk [tilespmem:v57+s15+$0x0], $0xffff  }
0x187: {  	v26 =	vor.u32 $0x280, v3;
	v22 =	vld.idx.msk [tilespmem:v58+s15+$0x0], $0xffff;
	[tilespmem:s2+$0x180] =	vst v62  }
0x188: {  	v24 =	vor.u32 $0x280, v5;
	v27 =	vmul.f32 v20, v14;
	v15 =	vld.idx.msk [tilespmem:v60+s15+$0x0], $0xffff  }
0x189: {  	v63 =	vor.u32 $0x280, v2;
	v19 =	vld.idx.msk [tilespmem:v61+s15+$0x0], $0xffff  }
0x18a: {  	v28 =	vor.u32 $0x280, v6;
	v11 =	vmul.f32 v13, v11;
	[tilespmem:s29+$0x200] =	vst v27  }
0x18b: {  	v29 =	vor.u32 $0x280, v7;
	v13 =	vld.idx.msk [tilespmem:v25+s15+$0x0], $0xffff  }
0x18c: {  	v31 =	vor.u32 $0x280, v8;
	[tilespmem:s28+$0x200] =	vst v11;
	v33 =	vld.idx.msk [tilespmem:v26+s15+$0x0], $0xffff;
	v30 =	vmul.f32 v22, v17  }
0x18d: {  	v32 =	vor.u32 $0x280, v9;
	v21 =	vld.idx.msk [tilespmem:v24+s15+$0x0], $0xffff  }
0x18e: {  	v1 =	vor.u32 $0x380, v1;
	v18 =	vld.idx.msk [tilespmem:v63+s15+$0x0], $0xffff;
	[tilespmem:s5+$0x200] =	vst v30;
	v15 =	vmul.f32 v19, v15  }
0x18f: {  	v38 =	vor.u32 $0x300, v4;
	v14 =	vld.idx.msk [tilespmem:v28+s15+$0x0], $0xffff  }
0x190: {  	v10 =	vmul.f32 v12, v10;
	v39 =	vor.u32 $0x300, v3;
	v36 =	vld.idx.msk [tilespmem:v29+s15+$0x0], $0xffff;
	[tilespmem:s2+$0x200] =	vst v15  }
0x191: {  	v35 =	vor.u32 $0x300, v5;
	v11 =	vmul.f32 v33, v13;
	v17 =	vld.idx.msk [tilespmem:v31+s15+$0x0], $0xffff  }
0x192: {  	v34 =	vor.u32 $0x300, v2;
	[tilespmem:s11+$0xD000] =	vst v10;
	v40 =	vld.idx.msk [tilespmem:v32+s15+$0x0], $0xffff  }
0x193: {  	v1 =	vld.idx.msk [tilespmem:v1+s15+$0x0], $0xffff;
	v41 =	vor.u32 $0x300, v6;
	v37 =	vmul.f32 v21, v18;
	[tilespmem:s29+$0x280] =	vst v11  }
0x194: {  	v42 =	vor.u32 $0x300, v7;
	v18 =	vld.idx.msk [tilespmem:v38+s15+$0x0], $0xffff  }
0x195: {  	v44 =	vor.u32 $0x300, v8;
	[tilespmem:s28+$0x280] =	vst v37;
	v10 =	vld.idx.msk [tilespmem:v39+s15+$0x0], $0xffff;
	v43 =	vmul.f32 v36, v14  }
0x196: {  	v45 =	vor.u32 $0x300, v9;
	v12 =	vld.idx.msk [tilespmem:v35+s15+$0x0], $0xffff  }
0x197: {  	v0 =	vor.u32 $0x380, v0;
	s11 =	sadd.s32 $0x1, s25;
	v15 =	vld.idx.msk [tilespmem:v34+s15+$0x0], $0xffff;
	[tilespmem:s5+$0x280] =	vst v43;
	v46 =	vmul.f32 v40, v17  }
0x198: {  	s4 =	sand.u32 $0x3, s11;
	v50 =	vor.u32 $0x380, v4;
	v13 =	vld.idx.msk [tilespmem:v41+s15+$0x0], $0xffff  }
0x199: {  	s4 =	sshll.u32 s4, $0x5;
	v52 =	vor.u32 $0x380, v3;
	v16 =	vld.idx.msk [tilespmem:v42+s15+$0x0], $0xffff;
	[tilespmem:s2+$0x280] =	vst v46  }
0x19a: {  	s3 =	sadd.s32 $0x1, s11;
	s4 =	sadd.s32 s4, s26;
	v47 =	vor.u32 $0x380, v2;
	v10 =	vmul.f32 v10, v18;
	v51 =	vld.idx.msk [tilespmem:v44+s15+$0x0], $0xffff  }
0x19b: {  	s3 =	sand.u32 $0x3, s3;
	s21 =	sor.u32 $0x300, s4;
	v48 =	vor.u32 $0x380, v5;
	v53 =	vld.idx.msk [tilespmem:v45+s15+$0x0], $0xffff  }
0x19c: {  	v0 =	vld.idx.msk [tilespmem:v0+s15+$0x0], $0xffff;
	s3 =	sshll.u32 s3, $0x5;
	s13 =	sadd.s32 $0x10, s4;
	v54 =	vor.u32 $0x380, v6;
	[tilespmem:s21+$0xD000] =	vst v10;
	v49 =	vmul.f32 v12, v15  }
0x19d: {  	v55 =	vor.u32 $0x380, v7;
	s3 =	sadd.s32 s3, s30;
	s14 =	sor.u32 $0x300, s13;
	v4 =	vld.idx.msk [tilespmem:v50+s15+$0x0], $0xffff  }
0x19e: {  	s22 =	sadd.s32 $0x10, s3;
	v57 =	vor.u32 $0x380, v8;
	v3 =	vld.idx.msk [tilespmem:v52+s15+$0x0], $0xffff;
	[tilespmem:s14+$0xD000] =	vst v49;
	v56 =	vmul.f32 v16, v13  }
0x19f: {  	s8 =	sor.u32 $0x300, s22;
	v58 =	vor.u32 $0x380, v9;
	v2 =	vld.idx.msk [tilespmem:v47+s15+$0x0], $0xffff  }
0x1a0: {  	v5 =	vld.idx.msk [tilespmem:v48+s15+$0x0], $0xffff;
	[tilespmem:s8+$0xD000] =	vst v56;
	v59 =	vmul.f32 v53, v51  }
0x1a1: {  	s25 =	sor.u32 $0x300, s3;
	v6 =	vld.idx.msk [tilespmem:v54+s15+$0x0], $0xffff  }
0x1a2: {  	v7 =	vld.idx.msk [tilespmem:v55+s15+$0x0], $0xffff;
	[tilespmem:s25+$0xD000] =	vst v59  }
0x1a3: {  	v8 =	vld.idx.msk [tilespmem:v57+s15+$0x0], $0xffff  }
0x1a4: {  	v9 =	vld.idx.msk [tilespmem:v58+s15+$0x0], $0xffff  }
0x1a5: {  	v0 =	vmul.f32 v0, v1  }
0x1a6: {  	s23 =	sadd.s32 $0x1, s23;
	v61 =	vmul.f32 v3, v4  }
0x1a7: {  	p0 =	sne.s32 s23, $0x20;
	[tilespmem:s0+$0xD000] =	vst v0;
	s28 =	sor.u32 $0x380, s4;
	v60 =	vmul.f32 v5, v2  }
.Ltmp5:
0x1a8: {  	s26 =	sor.u32 $0x380, s13;
	[tilespmem:s28+$0xD000] =	vst v61;
	v62 =	vmul.f32 v7, v6;
	(pc) =	sbr.rel @p0 .LBB2_2-.Ltmp5, $4  }
0x1a9: {  	s29 =	sor.u32 $0x380, s22;
	[tilespmem:s26+$0xD000] =	vst v60;
	v63 =	vmul.f32 v9, v8  }
0x1aa: {  	s30 =	sor.u32 $0x380, s3;
	[tilespmem:s29+$0xD000] =	vst v62  }
0x1ab: {  	s31 =	sadd.s32 s10, s24;
	[tilespmem:s30+$0xD000] =	vst v63  }
0x1ac: {  	[hbm4b:s31+s6] =	stream.linear.scatter [tilespmem:s20], [sflag:$0x4], $0x4000, $0x38;
	[tilespmem:$0x11000] =	vst v63  }
0x1ad: {  	s0 =	simm.s32 $0x3  }
0x1ae: {  	_ =	swait.ge [sflag:s0], $0x4000  }
0x1af: {  	[sflag:s0] =	ssyncset.done $0x0  }
0x1b0: {  	[sflag:s0] =	ssyncadd.s32 $0xFFFFC000  }
0x1b1: {  	_ =	swait.ge [sflag:s19], $0x4000  }
0x1b2: {  	s2 =	rddreg [dreg:$0x8]  }
0x1b3: {  	s31 =	rddreg [dreg:$0x7];
	s2 =	sadd.s32 $0x1, s2  }
0x1b4: {  	p0 =	sne.s32 s2, s31  }
.Ltmp6:
0x1b5: {  	_ = 	snop;
	(pc) =	sbr.rel @p0 .LBB2_1-.Ltmp6, $3  }
0x1b6: {  	_ =	sdelay $0x1  }
0x1b7: {  	[sflag:s19] =	ssyncset.done $0x0  }
0x1b8: {  	[sflag:s19] =	ssyncadd.s32 $0xFFFFC000  }
0x1b9: {  	_ =	sfence.sel $0x180000  }
0x1ba: {  	[bflag:$0x0] =	sbarrier.arrive $0xFFFF  }
0x1bb: {  	_ =	strace $0x90000047  }
0x1bc: {  	s0 =	stileid.u32;
	[bflag:$0x2] =	sbarrier.arrive $0xFFFF  }
0x1bd: {  	p0 =	sne.s32 s0, $0x0;
	s0 =	rddreg [dreg:$0x4]  }
0x1be: {  	s0 =	sadd.s32 @!p0 $0x100000, s0  }
0x1bf: {  	[sflag:s0] =	ssyncadd.tile.s32 @!p0 $0x1;
	_ =	shalt  }
.Lfunc_end2:
_tile_overlayer_lowered:
.L_overlay_start_2:
0x1c0: {  	(tag) =	ssettag $0x2  }
0x1c1: {  	s0 =	rddreg [dreg:$0x0];
	s2 =	stileid.u32  }
0x1c2: {  	s1 =	rddreg [dreg:$0x1];
	p0 =	sne.s32 s2, $0x0  }
0x1c3: {  	s3 =	rddreg [dreg:$0x2];
	[bflag:$0x3] =	sbarrier.arrive $0xFFFF;
	s2 =	simm.s32 @!p0 $0x1C05  }
0x1c4: {  	[timem:s3], [sflag:s2] =	dma.local @!p0 [hbm:s0], s1  }
0x1c5: {  	s0 =	simm.s32 @!p0 $0x5  }
0x1c6: {  	_ =	swait.ge @!p0 [sflag:s0], s1  }
0x1c7: {  	s1 =	ssub.s32 @!p0 $0x0, s1;
	[sflag:s0] =	ssyncset.done @!p0 $0x0  }
0x1c8: {  	[sflag:s0] =	ssyncadd.s32 @!p0 s1  }
0x1c9: {  	[bflag:$0x3] =	sbarrier.arrive $0xFFFF  }
0x1ca: {  	_ =	shalt  }

</sc_bundles>
